<compile_context>
chip_gen: v7x
topology: tpu7x:2x2x1
jax: 0.10.2.dev20260603
libtpu: 0.0.44.dev20260713+nightly
codegen_flags: <defaults>
</compile_context>

<pallas_src>
import functools

import jax
import jax.numpy as jnp
from jax import lax
from jax.experimental import pallas as pl
from jax.experimental.pallas import tpu as pltpu
from jax.experimental.pallas import tpu_sc as plsc

B = 4
H = 32
S = 4096
D = 2048
K = 1024

_IB = 512
_NIB = S // _IB

def _topk_idx_kernel(aw_ref, idx_ref):
    b = pl.program_id(0)
    aw = aw_ref[0]

    t = aw[0:8] + aw[8:16] + aw[16:24] + aw[24:32]
    u = t[0:4] + t[4:8]
    v = u[0:2] + u[2:4]
    srow = (v[0:1] + v[1:2]) * jnp.float32(1.0 / 32.0)

    scol = jnp.reshape(srow, (S, 1))

    rank_col = [None] * _NIB
    row_acc = [None] * _NIB
    for ib in range(_NIB):
        sc = lax.slice(scol, (ib * _IB, 0), (ib * _IB + _IB, 1))
        icol = lax.broadcasted_iota(jnp.int32, (_IB, 1), 0) + ib * _IB
        acc = None
        for jb in range(ib, _NIB):
            sr = lax.slice(srow, (0, jb * _IB), (1, jb * _IB + _IB))
            if jb == ib:
                jrow = (lax.broadcasted_iota(jnp.int32, (1, _IB), 1)
                        + jb * _IB)
                tie = (sr == sc) & (jrow < icol)
                c = jnp.where((sr > sc) | tie, 1.0, 0.0)
            else:
                gt = sr > sc
                c = jnp.where(gt, 1.0, 0.0)
                cs = jnp.float32(_IB) - jnp.sum(c, axis=0, keepdims=True)
                row_acc[jb] = cs if row_acc[jb] is None else row_acc[jb] + cs
            r = jnp.sum(c, axis=1, keepdims=True)
            acc = r if acc is None else acc + r
        rank_col[ib] = acc

    zero_row = jnp.zeros((1, _IB), jnp.float32)
    row_full = lax.concatenate(
        [row_acc[jb] if row_acc[jb] is not None else zero_row
         for jb in range(_NIB)], 1)
    row_as_col = jnp.reshape(row_full, (S, 1))

    rrow = lax.broadcasted_iota(jnp.int32, (1, K), 1).astype(jnp.float32)
    racc = jnp.zeros((1, K), jnp.float32)
    for ib in range(_NIB):
        rank = rank_col[ib] + lax.slice(
            row_as_col, (ib * _IB, 0), (ib * _IB + _IB, 1))
        hit = rank == rrow
        icolf = (lax.broadcasted_iota(jnp.int32, (_IB, 1), 0)
                 + ib * _IB).astype(jnp.float32)
        racc = racc + jnp.sum(jnp.where(hit, icolf, 0.0), axis=0,
                              keepdims=True)
    idx_ref[0] = racc.astype(jnp.int32) + b * S


def _compute_topk_indices(attention_weights):
    out = pl.pallas_call(
        _topk_idx_kernel,
        grid=(B,),
        in_specs=[pl.BlockSpec((1, H, S), lambda b: (b, 0, 0))],
        out_specs=pl.BlockSpec((1, 1, K), lambda b: (b, 0, 0)),
        out_shape=jax.ShapeDtypeStruct((B, 1, K), jnp.int32),
    )(attention_weights)
    return out.reshape(B * K)


_NC = 2
_NS = 16
_NW = _NC * _NS
_RPW = (B * K) // _NW
_CH = 16
_NCH = _RPW // _CH


_NBUF = 3


def _sc_gather_body(table_hbm, idx_hbm, out_hbm,
                    idx_v, buf0, buf1, buf2, g0, g1, g2, s0, s1, s2):
    wid = lax.axis_index("s") * _NC + lax.axis_index("c")
    base = wid * _RPW
    pltpu.sync_copy(idx_hbm.at[pl.ds(base, _RPW)], idx_v)
    bufs = (buf0, buf1, buf2)
    gsems = (g0, g1, g2)
    ssems = (s0, s1, s2)

    def start_gather(c):
        return pltpu.async_copy(
            table_hbm.at[idx_v.at[pl.ds(c * _CH, _CH)]],
            bufs[c % _NBUF], gsems[c % _NBUF])

    def start_write(c):
        return pltpu.async_copy(
            bufs[c % _NBUF], out_hbm.at[pl.ds(base + c * _CH, _CH)],
            ssems[c % _NBUF])

    gh = [None] * _NCH
    sh = [None] * _NCH
    gh[0] = start_gather(0)
    gh[1] = start_gather(1)
    for c in range(_NCH):
        if c + 2 < _NCH:
            if c >= 1:
                sh[c - 1].wait()
            gh[c + 2] = start_gather(c + 2)
        gh[c].wait()
        sh[c] = start_write(c)
    sh[_NCH - 3].wait()
    sh[_NCH - 2].wait()
    sh[_NCH - 1].wait()


def _sc_gather(table, idx):
    mesh = plsc.VectorSubcoreMesh(core_axis_name="c", subcore_axis_name="s")
    run = functools.partial(
        pl.kernel,
        out_type=jax.ShapeDtypeStruct((B * K, D), jnp.float32),
        mesh=mesh,
        scratch_types=[
            pltpu.VMEM((_RPW,), jnp.int32),
            pltpu.VMEM((_CH, D), jnp.float32),
            pltpu.VMEM((_CH, D), jnp.float32),
            pltpu.VMEM((_CH, D), jnp.float32),
            pltpu.SemaphoreType.DMA,
            pltpu.SemaphoreType.DMA,
            pltpu.SemaphoreType.DMA,
            pltpu.SemaphoreType.DMA,
            pltpu.SemaphoreType.DMA,
            pltpu.SemaphoreType.DMA,
        ],
    )(_sc_gather_body)
    return run(table, idx)


def kernel(x, attention_weights, head_weights):
    del head_weights
    idx = _compute_topk_indices(attention_weights)
    table = x.reshape(B * S, D)
    out = _sc_gather(table, idx)
    return out.reshape(B, K, D)

# --- scband reference (transcript-rebuilt; emitter-appended) ---
"""Pipeline reference for scband-token-selection-21174188769576 (READ-ONLY COPY).

The authoritative reference and input builder live on the scoring server;
editing this copy changes nothing except your own understanding.
"""

import jax, jax.numpy as jnp
import numpy as np

K = 1024

def setup_inputs(seed: int = 0) -> dict:
    key = jax.random.key(seed)
    k1, k2 = jax.random.split(key)
    x = jax.random.normal(k1, (4, 4096, 2048), dtype=jnp.float32)
    attention_weights = jax.random.uniform(k2, (4, 32, 4096), dtype=jnp.float32)
    head_weights = jnp.ones((32,), dtype=jnp.float32)
    return {"x": x, "attention_weights": attention_weights, "head_weights": head_weights}

def reference(x, attention_weights, head_weights):
    # attention_score: mean over heads -> [B, S]
    attention_score = attention_weights.mean(axis=1)
    # top-K token indices along sequence dim
    _, topk_indices = jax.lax.top_k(attention_score, K)
    # gather selected tokens: [B, K, D]
    out = jnp.take_along_axis(x, topk_indices[:, :, None], axis=1)
    return out

if __name__ == "__main__":
    import jax
    _d = setup_inputs()
    print(jax.jit(kernel)(*tuple(_d.values())))

</pallas_src>

<mosaic_0001>
#map = affine_map<(d0, d1) -> (0, 0)>
#map1 = affine_map<(d0, d1) -> (0)>
module attributes {stable_mosaic.version = 14 : i64} {
  func.func @_sc_gather_body(%arg0: i32, %arg1: i32, %arg2: memref<16384x2048xf32, #tpu.memory_space<hbm>>, %arg3: memref<4096xi32, #tpu.memory_space<hbm>>, %arg4: memref<4096x2048xf32, #tpu.memory_space<hbm>>, %arg5: memref<128xi32, #tpu.memory_space<vmem>>, %arg6: memref<16x2048xf32, #tpu.memory_space<vmem>>, %arg7: memref<16x2048xf32, #tpu.memory_space<vmem>>, %arg8: memref<16x2048xf32, #tpu.memory_space<vmem>>, %arg9: memref<!tpu.dma_semaphore, #tpu.memory_space<semaphore_mem>>, %arg10: memref<!tpu.dma_semaphore, #tpu.memory_space<semaphore_mem>>, %arg11: memref<!tpu.dma_semaphore, #tpu.memory_space<semaphore_mem>>, %arg12: memref<!tpu.dma_semaphore, #tpu.memory_space<semaphore_mem>>, %arg13: memref<!tpu.dma_semaphore, #tpu.memory_space<semaphore_mem>>, %arg14: memref<!tpu.dma_semaphore, #tpu.memory_space<semaphore_mem>>) attributes {dimension_semantics = [#tpu.dimension_semantics<core_parallel>, #tpu.dimension_semantics<subcore_parallel>], iteration_bounds = array<i64: 2, 16>, scalar_prefetch = 0 : i64, scratch_operands = 10 : i64, tpu.core_type = #tpu.core_type<sc_vector_subcore>, window_params = [{transform_indices = #map}, {transform_indices = #map1}, {transform_indices = #map}]} {
    %mul3A = arith.constant 2 : i32
    %mul3A_0 = arith.muli %arg1, %mul3A : i32
    %add3A = arith.addi %mul3A_0, %arg0 : i32
    %mul3A_1 = arith.constant 128 : i32
    %mul3A_2 = arith.muli %add3A, %mul3A_1 : i32
    "tpu.region"() ({
      %run_scoped3A = tpu.sem_alloc : memref<!tpu.dma_semaphore, #tpu.memory_space<semaphore_mem>>
      %dma_start3A_161 = tpu.memref_slice %arg3[%mul3A_2] : memref<4096xi32, #tpu.memory_space<hbm>> -> memref<128xi32, #tpu.memory_space<hbm>>
      %dma_start3A_162 = tpu.memref_slice %arg3[%mul3A_2] : memref<4096xi32, #tpu.memory_space<hbm>> -> memref<128xi32, #tpu.memory_space<hbm>>
      tpu.enqueue_dma source(%dma_start3A_162 : memref<128xi32, #tpu.memory_space<hbm>>) target(%arg5 : memref<128xi32, #tpu.memory_space<vmem>>) target_semaphore(%run_scoped3A : memref<!tpu.dma_semaphore, #tpu.memory_space<semaphore_mem>>)
      %dma_wait3A_163 = tpu.memref_slice %arg3[%mul3A_2] : memref<4096xi32, #tpu.memory_space<hbm>> -> memref<128xi32, #tpu.memory_space<hbm>>
      %dma_wait3A_164 = tpu.memref_slice %arg3[%mul3A_2] : memref<4096xi32, #tpu.memory_space<hbm>> -> memref<128xi32, #tpu.memory_space<hbm>>
      tpu.wait_dma2 semaphore(%run_scoped3A : memref<!tpu.dma_semaphore, #tpu.memory_space<semaphore_mem>>) src(%dma_wait3A_164 : memref<128xi32, #tpu.memory_space<hbm>>) dst(%arg5 : memref<128xi32, #tpu.memory_space<vmem>>)
      tpu.yield
    }) : () -> ()
    %dma_start3A = arith.constant 0 : i32
    %dma_start3A_3 = tpu.memref_slice %arg5[%dma_start3A] : memref<128xi32, #tpu.memory_space<vmem>> -> memref<16xi32, #tpu.memory_space<vmem>>
    %dma_start3A_4 = arith.constant 0 : i32
    %dma_start3A_5 = arith.constant 0 : i32
    %dma_start3A_6 = tpu.memref_slice %arg2[%dma_start3A_4, %dma_start3A_5] : memref<16384x2048xf32, #tpu.memory_space<hbm>> -> memref<16384x2048xf32, #tpu.memory_space<hbm>>
    tpu.enqueue_indirect_dma source(%dma_start3A_6 : memref<16384x2048xf32, #tpu.memory_space<hbm>>) target(%arg6 : memref<16x2048xf32, #tpu.memory_space<vmem>>) offsets(%dma_start3A_3 : memref<16xi32, #tpu.memory_space<vmem>>) semaphore(%arg9 : memref<!tpu.dma_semaphore, #tpu.memory_space<semaphore_mem>>)
    %dma_start3A_7 = arith.constant 16 : i32
    %dma_start3A_8 = tpu.memref_slice %arg5[%dma_start3A_7] : memref<128xi32, #tpu.memory_space<vmem>> -> memref<16xi32, #tpu.memory_space<vmem>>
    %dma_start3A_9 = arith.constant 0 : i32
    %dma_start3A_10 = arith.constant 0 : i32
    %dma_start3A_11 = tpu.memref_slice %arg2[%dma_start3A_9, %dma_start3A_10] : memref<16384x2048xf32, #tpu.memory_space<hbm>> -> memref<16384x2048xf32, #tpu.memory_space<hbm>>
    tpu.enqueue_indirect_dma source(%dma_start3A_11 : memref<16384x2048xf32, #tpu.memory_space<hbm>>) target(%arg7 : memref<16x2048xf32, #tpu.memory_space<vmem>>) offsets(%dma_start3A_8 : memref<16xi32, #tpu.memory_space<vmem>>) semaphore(%arg10 : memref<!tpu.dma_semaphore, #tpu.memory_space<semaphore_mem>>)
    %dma_start3A_12 = arith.constant 32 : i32
    %dma_start3A_13 = tpu.memref_slice %arg5[%dma_start3A_12] : memref<128xi32, #tpu.memory_space<vmem>> -> memref<16xi32, #tpu.memory_space<vmem>>
    %dma_start3A_14 = arith.constant 0 : i32
    %dma_start3A_15 = arith.constant 0 : i32
    %dma_start3A_16 = tpu.memref_slice %arg2[%dma_start3A_14, %dma_start3A_15] : memref<16384x2048xf32, #tpu.memory_space<hbm>> -> memref<16384x2048xf32, #tpu.memory_space<hbm>>
    tpu.enqueue_indirect_dma source(%dma_start3A_16 : memref<16384x2048xf32, #tpu.memory_space<hbm>>) target(%arg8 : memref<16x2048xf32, #tpu.memory_space<vmem>>) offsets(%dma_start3A_13 : memref<16xi32, #tpu.memory_space<vmem>>) semaphore(%arg11 : memref<!tpu.dma_semaphore, #tpu.memory_space<semaphore_mem>>)
    %dma_wait3A = arith.constant 0 : i32
    %dma_wait3A_17 = tpu.memref_slice %arg5[%dma_wait3A] : memref<128xi32, #tpu.memory_space<vmem>> -> memref<16xi32, #tpu.memory_space<vmem>>
    %dma_wait3A_18 = arith.constant 0 : i32
    %dma_wait3A_19 = arith.constant 0 : i32
    %dma_wait3A_20 = tpu.memref_slice %arg2[%dma_wait3A_18, %dma_wait3A_19] : memref<16384x2048xf32, #tpu.memory_space<hbm>> -> memref<16384x2048xf32, #tpu.memory_space<hbm>>
    tpu.wait_indirect_dma semaphore(%arg9 : memref<!tpu.dma_semaphore, #tpu.memory_space<semaphore_mem>>) src(%dma_wait3A_20 : memref<16384x2048xf32, #tpu.memory_space<hbm>>) dst(%arg6 : memref<16x2048xf32, #tpu.memory_space<vmem>>)
    %add3A_21 = arith.constant 0 : i32
    %add3A_22 = arith.addi %mul3A_2, %add3A_21 : i32
    %dma_start3A_23 = arith.constant 0 : i32
    %dma_start3A_24 = tpu.memref_slice %arg4[%add3A_22, %dma_start3A_23] : memref<4096x2048xf32, #tpu.memory_space<hbm>> -> memref<16x2048xf32, #tpu.memory_space<hbm>>
    %dma_start3A_25 = arith.constant 0 : i32
    %dma_start3A_26 = tpu.memref_slice %arg4[%add3A_22, %dma_start3A_25] : memref<4096x2048xf32, #tpu.memory_space<hbm>> -> memref<16x2048xf32, #tpu.memory_space<hbm>>
    tpu.enqueue_dma source(%arg6 : memref<16x2048xf32, #tpu.memory_space<vmem>>) target(%dma_start3A_26 : memref<16x2048xf32, #tpu.memory_space<hbm>>) target_semaphore(%arg12 : memref<!tpu.dma_semaphore, #tpu.memory_space<semaphore_mem>>)
    %dma_wait3A_27 = arith.constant 0 : i32
    %dma_wait3A_28 = tpu.memref_slice %arg4[%add3A_22, %dma_wait3A_27] : memref<4096x2048xf32, #tpu.memory_space<hbm>> -> memref<16x2048xf32, #tpu.memory_space<hbm>>
    %dma_wait3A_29 = arith.constant 0 : i32
    %dma_wait3A_30 = tpu.memref_slice %arg4[%add3A_22, %dma_wait3A_29] : memref<4096x2048xf32, #tpu.memory_space<hbm>> -> memref<16x2048xf32, #tpu.memory_space<hbm>>
    tpu.wait_dma2 semaphore(%arg12 : memref<!tpu.dma_semaphore, #tpu.memory_space<semaphore_mem>>) src(%arg6 : memref<16x2048xf32, #tpu.memory_space<vmem>>) dst(%dma_wait3A_30 : memref<16x2048xf32, #tpu.memory_space<hbm>>)
    %dma_start3A_31 = arith.constant 48 : i32
    %dma_start3A_32 = tpu.memref_slice %arg5[%dma_start3A_31] : memref<128xi32, #tpu.memory_space<vmem>> -> memref<16xi32, #tpu.memory_space<vmem>>
    %dma_start3A_33 = arith.constant 0 : i32
    %dma_start3A_34 = arith.constant 0 : i32
    %dma_start3A_35 = tpu.memref_slice %arg2[%dma_start3A_33, %dma_start3A_34] : memref<16384x2048xf32, #tpu.memory_space<hbm>> -> memref<16384x2048xf32, #tpu.memory_space<hbm>>
    tpu.enqueue_indirect_dma source(%dma_start3A_35 : memref<16384x2048xf32, #tpu.memory_space<hbm>>) target(%arg6 : memref<16x2048xf32, #tpu.memory_space<vmem>>) offsets(%dma_start3A_32 : memref<16xi32, #tpu.memory_space<vmem>>) semaphore(%arg9 : memref<!tpu.dma_semaphore, #tpu.memory_space<semaphore_mem>>)
    %dma_wait3A_36 = arith.constant 16 : i32
    %dma_wait3A_37 = tpu.memref_slice %arg5[%dma_wait3A_36] : memref<128xi32, #tpu.memory_space<vmem>> -> memref<16xi32, #tpu.memory_space<vmem>>
    %dma_wait3A_38 = arith.constant 0 : i32
    %dma_wait3A_39 = arith.constant 0 : i32
    %dma_wait3A_40 = tpu.memref_slice %arg2[%dma_wait3A_38, %dma_wait3A_39] : memref<16384x2048xf32, #tpu.memory_space<hbm>> -> memref<16384x2048xf32, #tpu.memory_space<hbm>>
    tpu.wait_indirect_dma semaphore(%arg10 : memref<!tpu.dma_semaphore, #tpu.memory_space<semaphore_mem>>) src(%dma_wait3A_40 : memref<16384x2048xf32, #tpu.memory_space<hbm>>) dst(%arg7 : memref<16x2048xf32, #tpu.memory_space<vmem>>)
    %add3A_41 = arith.constant 16 : i32
    %add3A_42 = arith.addi %mul3A_2, %add3A_41 : i32
    %dma_start3A_43 = arith.constant 0 : i32
    %dma_start3A_44 = tpu.memref_slice %arg4[%add3A_42, %dma_start3A_43] : memref<4096x2048xf32, #tpu.memory_space<hbm>> -> memref<16x2048xf32, #tpu.memory_space<hbm>>
    %dma_start3A_45 = arith.constant 0 : i32
    %dma_start3A_46 = tpu.memref_slice %arg4[%add3A_42, %dma_start3A_45] : memref<4096x2048xf32, #tpu.memory_space<hbm>> -> memref<16x2048xf32, #tpu.memory_space<hbm>>
    tpu.enqueue_dma source(%arg7 : memref<16x2048xf32, #tpu.memory_space<vmem>>) target(%dma_start3A_46 : memref<16x2048xf32, #tpu.memory_space<hbm>>) target_semaphore(%arg13 : memref<!tpu.dma_semaphore, #tpu.memory_space<semaphore_mem>>)
    %dma_wait3A_47 = arith.constant 0 : i32
    %dma_wait3A_48 = tpu.memref_slice %arg4[%add3A_42, %dma_wait3A_47] : memref<4096x2048xf32, #tpu.memory_space<hbm>> -> memref<16x2048xf32, #tpu.memory_space<hbm>>
    %dma_wait3A_49 = arith.constant 0 : i32
    %dma_wait3A_50 = tpu.memref_slice %arg4[%add3A_42, %dma_wait3A_49] : memref<4096x2048xf32, #tpu.memory_space<hbm>> -> memref<16x2048xf32, #tpu.memory_space<hbm>>
    tpu.wait_dma2 semaphore(%arg13 : memref<!tpu.dma_semaphore, #tpu.memory_space<semaphore_mem>>) src(%arg7 : memref<16x2048xf32, #tpu.memory_space<vmem>>) dst(%dma_wait3A_50 : memref<16x2048xf32, #tpu.memory_space<hbm>>)
    %dma_start3A_51 = arith.constant 64 : i32
    %dma_start3A_52 = tpu.memref_slice %arg5[%dma_start3A_51] : memref<128xi32, #tpu.memory_space<vmem>> -> memref<16xi32, #tpu.memory_space<vmem>>
    %dma_start3A_53 = arith.constant 0 : i32
    %dma_start3A_54 = arith.constant 0 : i32
    %dma_start3A_55 = tpu.memref_slice %arg2[%dma_start3A_53, %dma_start3A_54] : memref<16384x2048xf32, #tpu.memory_space<hbm>> -> memref<16384x2048xf32, #tpu.memory_space<hbm>>
    tpu.enqueue_indirect_dma source(%dma_start3A_55 : memref<16384x2048xf32, #tpu.memory_space<hbm>>) target(%arg7 : memref<16x2048xf32, #tpu.memory_space<vmem>>) offsets(%dma_start3A_52 : memref<16xi32, #tpu.memory_space<vmem>>) semaphore(%arg10 : memref<!tpu.dma_semaphore, #tpu.memory_space<semaphore_mem>>)
    %dma_wait3A_56 = arith.constant 32 : i32
    %dma_wait3A_57 = tpu.memref_slice %arg5[%dma_wait3A_56] : memref<128xi32, #tpu.memory_space<vmem>> -> memref<16xi32, #tpu.memory_space<vmem>>
    %dma_wait3A_58 = arith.constant 0 : i32
    %dma_wait3A_59 = arith.constant 0 : i32
    %dma_wait3A_60 = tpu.memref_slice %arg2[%dma_wait3A_58, %dma_wait3A_59] : memref<16384x2048xf32, #tpu.memory_space<hbm>> -> memref<16384x2048xf32, #tpu.memory_space<hbm>>
    tpu.wait_indirect_dma semaphore(%arg11 : memref<!tpu.dma_semaphore, #tpu.memory_space<semaphore_mem>>) src(%dma_wait3A_60 : memref<16384x2048xf32, #tpu.memory_space<hbm>>) dst(%arg8 : memref<16x2048xf32, #tpu.memory_space<vmem>>)
    %add3A_61 = arith.constant 32 : i32
    %add3A_62 = arith.addi %mul3A_2, %add3A_61 : i32
    %dma_start3A_63 = arith.constant 0 : i32
    %dma_start3A_64 = tpu.memref_slice %arg4[%add3A_62, %dma_start3A_63] : memref<4096x2048xf32, #tpu.memory_space<hbm>> -> memref<16x2048xf32, #tpu.memory_space<hbm>>
    %dma_start3A_65 = arith.constant 0 : i32
    %dma_start3A_66 = tpu.memref_slice %arg4[%add3A_62, %dma_start3A_65] : memref<4096x2048xf32, #tpu.memory_space<hbm>> -> memref<16x2048xf32, #tpu.memory_space<hbm>>
    tpu.enqueue_dma source(%arg8 : memref<16x2048xf32, #tpu.memory_space<vmem>>) target(%dma_start3A_66 : memref<16x2048xf32, #tpu.memory_space<hbm>>) target_semaphore(%arg14 : memref<!tpu.dma_semaphore, #tpu.memory_space<semaphore_mem>>)
    %dma_wait3A_67 = arith.constant 0 : i32
    %dma_wait3A_68 = tpu.memref_slice %arg4[%add3A_62, %dma_wait3A_67] : memref<4096x2048xf32, #tpu.memory_space<hbm>> -> memref<16x2048xf32, #tpu.memory_space<hbm>>
    %dma_wait3A_69 = arith.constant 0 : i32
    %dma_wait3A_70 = tpu.memref_slice %arg4[%add3A_62, %dma_wait3A_69] : memref<4096x2048xf32, #tpu.memory_space<hbm>> -> memref<16x2048xf32, #tpu.memory_space<hbm>>
    tpu.wait_dma2 semaphore(%arg14 : memref<!tpu.dma_semaphore, #tpu.memory_space<semaphore_mem>>) src(%arg8 : memref<16x2048xf32, #tpu.memory_space<vmem>>) dst(%dma_wait3A_70 : memref<16x2048xf32, #tpu.memory_space<hbm>>)
    %dma_start3A_71 = arith.constant 80 : i32
    %dma_start3A_72 = tpu.memref_slice %arg5[%dma_start3A_71] : memref<128xi32, #tpu.memory_space<vmem>> -> memref<16xi32, #tpu.memory_space<vmem>>
    %dma_start3A_73 = arith.constant 0 : i32
    %dma_start3A_74 = arith.constant 0 : i32
    %dma_start3A_75 = tpu.memref_slice %arg2[%dma_start3A_73, %dma_start3A_74] : memref<16384x2048xf32, #tpu.memory_space<hbm>> -> memref<16384x2048xf32, #tpu.memory_space<hbm>>
    tpu.enqueue_indirect_dma source(%dma_start3A_75 : memref<16384x2048xf32, #tpu.memory_space<hbm>>) target(%arg8 : memref<16x2048xf32, #tpu.memory_space<vmem>>) offsets(%dma_start3A_72 : memref<16xi32, #tpu.memory_space<vmem>>) semaphore(%arg11 : memref<!tpu.dma_semaphore, #tpu.memory_space<semaphore_mem>>)
    %dma_wait3A_76 = arith.constant 48 : i32
    %dma_wait3A_77 = tpu.memref_slice %arg5[%dma_wait3A_76] : memref<128xi32, #tpu.memory_space<vmem>> -> memref<16xi32, #tpu.memory_space<vmem>>
    %dma_wait3A_78 = arith.constant 0 : i32
    %dma_wait3A_79 = arith.constant 0 : i32
    %dma_wait3A_80 = tpu.memref_slice %arg2[%dma_wait3A_78, %dma_wait3A_79] : memref<16384x2048xf32, #tpu.memory_space<hbm>> -> memref<16384x2048xf32, #tpu.memory_space<hbm>>
    tpu.wait_indirect_dma semaphore(%arg9 : memref<!tpu.dma_semaphore, #tpu.memory_space<semaphore_mem>>) src(%dma_wait3A_80 : memref<16384x2048xf32, #tpu.memory_space<hbm>>) dst(%arg6 : memref<16x2048xf32, #tpu.memory_space<vmem>>)
    %add3A_81 = arith.constant 48 : i32
    %add3A_82 = arith.addi %mul3A_2, %add3A_81 : i32
    %dma_start3A_83 = arith.constant 0 : i32
    %dma_start3A_84 = tpu.memref_slice %arg4[%add3A_82, %dma_start3A_83] : memref<4096x2048xf32, #tpu.memory_space<hbm>> -> memref<16x2048xf32, #tpu.memory_space<hbm>>
    %dma_start3A_85 = arith.constant 0 : i32
    %dma_start3A_86 = tpu.memref_slice %arg4[%add3A_82, %dma_start3A_85] : memref<4096x2048xf32, #tpu.memory_space<hbm>> -> memref<16x2048xf32, #tpu.memory_space<hbm>>
    tpu.enqueue_dma source(%arg6 : memref<16x2048xf32, #tpu.memory_space<vmem>>) target(%dma_start3A_86 : memref<16x2048xf32, #tpu.memory_space<hbm>>) target_semaphore(%arg12 : memref<!tpu.dma_semaphore, #tpu.memory_space<semaphore_mem>>)
    %dma_wait3A_87 = arith.constant 0 : i32
    %dma_wait3A_88 = tpu.memref_slice %arg4[%add3A_82, %dma_wait3A_87] : memref<4096x2048xf32, #tpu.memory_space<hbm>> -> memref<16x2048xf32, #tpu.memory_space<hbm>>
    %dma_wait3A_89 = arith.constant 0 : i32
    %dma_wait3A_90 = tpu.memref_slice %arg4[%add3A_82, %dma_wait3A_89] : memref<4096x2048xf32, #tpu.memory_space<hbm>> -> memref<16x2048xf32, #tpu.memory_space<hbm>>
    tpu.wait_dma2 semaphore(%arg12 : memref<!tpu.dma_semaphore, #tpu.memory_space<semaphore_mem>>) src(%arg6 : memref<16x2048xf32, #tpu.memory_space<vmem>>) dst(%dma_wait3A_90 : memref<16x2048xf32, #tpu.memory_space<hbm>>)
    %dma_start3A_91 = arith.constant 96 : i32
    %dma_start3A_92 = tpu.memref_slice %arg5[%dma_start3A_91] : memref<128xi32, #tpu.memory_space<vmem>> -> memref<16xi32, #tpu.memory_space<vmem>>
    %dma_start3A_93 = arith.constant 0 : i32
    %dma_start3A_94 = arith.constant 0 : i32
    %dma_start3A_95 = tpu.memref_slice %arg2[%dma_start3A_93, %dma_start3A_94] : memref<16384x2048xf32, #tpu.memory_space<hbm>> -> memref<16384x2048xf32, #tpu.memory_space<hbm>>
    tpu.enqueue_indirect_dma source(%dma_start3A_95 : memref<16384x2048xf32, #tpu.memory_space<hbm>>) target(%arg6 : memref<16x2048xf32, #tpu.memory_space<vmem>>) offsets(%dma_start3A_92 : memref<16xi32, #tpu.memory_space<vmem>>) semaphore(%arg9 : memref<!tpu.dma_semaphore, #tpu.memory_space<semaphore_mem>>)
    %dma_wait3A_96 = arith.constant 64 : i32
    %dma_wait3A_97 = tpu.memref_slice %arg5[%dma_wait3A_96] : memref<128xi32, #tpu.memory_space<vmem>> -> memref<16xi32, #tpu.memory_space<vmem>>
    %dma_wait3A_98 = arith.constant 0 : i32
    %dma_wait3A_99 = arith.constant 0 : i32
    %dma_wait3A_100 = tpu.memref_slice %arg2[%dma_wait3A_98, %dma_wait3A_99] : memref<16384x2048xf32, #tpu.memory_space<hbm>> -> memref<16384x2048xf32, #tpu.memory_space<hbm>>
    tpu.wait_indirect_dma semaphore(%arg10 : memref<!tpu.dma_semaphore, #tpu.memory_space<semaphore_mem>>) src(%dma_wait3A_100 : memref<16384x2048xf32, #tpu.memory_space<hbm>>) dst(%arg7 : memref<16x2048xf32, #tpu.memory_space<vmem>>)
    %add3A_101 = arith.constant 64 : i32
    %add3A_102 = arith.addi %mul3A_2, %add3A_101 : i32
    %dma_start3A_103 = arith.constant 0 : i32
    %dma_start3A_104 = tpu.memref_slice %arg4[%add3A_102, %dma_start3A_103] : memref<4096x2048xf32, #tpu.memory_space<hbm>> -> memref<16x2048xf32, #tpu.memory_space<hbm>>
    %dma_start3A_105 = arith.constant 0 : i32
    %dma_start3A_106 = tpu.memref_slice %arg4[%add3A_102, %dma_start3A_105] : memref<4096x2048xf32, #tpu.memory_space<hbm>> -> memref<16x2048xf32, #tpu.memory_space<hbm>>
    tpu.enqueue_dma source(%arg7 : memref<16x2048xf32, #tpu.memory_space<vmem>>) target(%dma_start3A_106 : memref<16x2048xf32, #tpu.memory_space<hbm>>) target_semaphore(%arg13 : memref<!tpu.dma_semaphore, #tpu.memory_space<semaphore_mem>>)
    %dma_wait3A_107 = arith.constant 0 : i32
    %dma_wait3A_108 = tpu.memref_slice %arg4[%add3A_102, %dma_wait3A_107] : memref<4096x2048xf32, #tpu.memory_space<hbm>> -> memref<16x2048xf32, #tpu.memory_space<hbm>>
    %dma_wait3A_109 = arith.constant 0 : i32
    %dma_wait3A_110 = tpu.memref_slice %arg4[%add3A_102, %dma_wait3A_109] : memref<4096x2048xf32, #tpu.memory_space<hbm>> -> memref<16x2048xf32, #tpu.memory_space<hbm>>
    tpu.wait_dma2 semaphore(%arg13 : memref<!tpu.dma_semaphore, #tpu.memory_space<semaphore_mem>>) src(%arg7 : memref<16x2048xf32, #tpu.memory_space<vmem>>) dst(%dma_wait3A_110 : memref<16x2048xf32, #tpu.memory_space<hbm>>)
    %dma_start3A_111 = arith.constant 112 : i32
    %dma_start3A_112 = tpu.memref_slice %arg5[%dma_start3A_111] : memref<128xi32, #tpu.memory_space<vmem>> -> memref<16xi32, #tpu.memory_space<vmem>>
    %dma_start3A_113 = arith.constant 0 : i32
    %dma_start3A_114 = arith.constant 0 : i32
    %dma_start3A_115 = tpu.memref_slice %arg2[%dma_start3A_113, %dma_start3A_114] : memref<16384x2048xf32, #tpu.memory_space<hbm>> -> memref<16384x2048xf32, #tpu.memory_space<hbm>>
    tpu.enqueue_indirect_dma source(%dma_start3A_115 : memref<16384x2048xf32, #tpu.memory_space<hbm>>) target(%arg7 : memref<16x2048xf32, #tpu.memory_space<vmem>>) offsets(%dma_start3A_112 : memref<16xi32, #tpu.memory_space<vmem>>) semaphore(%arg10 : memref<!tpu.dma_semaphore, #tpu.memory_space<semaphore_mem>>)
    %dma_wait3A_116 = arith.constant 80 : i32
    %dma_wait3A_117 = tpu.memref_slice %arg5[%dma_wait3A_116] : memref<128xi32, #tpu.memory_space<vmem>> -> memref<16xi32, #tpu.memory_space<vmem>>
    %dma_wait3A_118 = arith.constant 0 : i32
    %dma_wait3A_119 = arith.constant 0 : i32
    %dma_wait3A_120 = tpu.memref_slice %arg2[%dma_wait3A_118, %dma_wait3A_119] : memref<16384x2048xf32, #tpu.memory_space<hbm>> -> memref<16384x2048xf32, #tpu.memory_space<hbm>>
    tpu.wait_indirect_dma semaphore(%arg11 : memref<!tpu.dma_semaphore, #tpu.memory_space<semaphore_mem>>) src(%dma_wait3A_120 : memref<16384x2048xf32, #tpu.memory_space<hbm>>) dst(%arg8 : memref<16x2048xf32, #tpu.memory_space<vmem>>)
    %add3A_121 = arith.constant 80 : i32
    %add3A_122 = arith.addi %mul3A_2, %add3A_121 : i32
    %dma_start3A_123 = arith.constant 0 : i32
    %dma_start3A_124 = tpu.memref_slice %arg4[%add3A_122, %dma_start3A_123] : memref<4096x2048xf32, #tpu.memory_space<hbm>> -> memref<16x2048xf32, #tpu.memory_space<hbm>>
    %dma_start3A_125 = arith.constant 0 : i32
    %dma_start3A_126 = tpu.memref_slice %arg4[%add3A_122, %dma_start3A_125] : memref<4096x2048xf32, #tpu.memory_space<hbm>> -> memref<16x2048xf32, #tpu.memory_space<hbm>>
    tpu.enqueue_dma source(%arg8 : memref<16x2048xf32, #tpu.memory_space<vmem>>) target(%dma_start3A_126 : memref<16x2048xf32, #tpu.memory_space<hbm>>) target_semaphore(%arg14 : memref<!tpu.dma_semaphore, #tpu.memory_space<semaphore_mem>>)
    %dma_wait3A_127 = arith.constant 96 : i32
    %dma_wait3A_128 = tpu.memref_slice %arg5[%dma_wait3A_127] : memref<128xi32, #tpu.memory_space<vmem>> -> memref<16xi32, #tpu.memory_space<vmem>>
    %dma_wait3A_129 = arith.constant 0 : i32
    %dma_wait3A_130 = arith.constant 0 : i32
    %dma_wait3A_131 = tpu.memref_slice %arg2[%dma_wait3A_129, %dma_wait3A_130] : memref<16384x2048xf32, #tpu.memory_space<hbm>> -> memref<16384x2048xf32, #tpu.memory_space<hbm>>
    tpu.wait_indirect_dma semaphore(%arg9 : memref<!tpu.dma_semaphore, #tpu.memory_space<semaphore_mem>>) src(%dma_wait3A_131 : memref<16384x2048xf32, #tpu.memory_space<hbm>>) dst(%arg6 : memref<16x2048xf32, #tpu.memory_space<vmem>>)
    %add3A_132 = arith.constant 96 : i32
    %add3A_133 = arith.addi %mul3A_2, %add3A_132 : i32
    %dma_start3A_134 = arith.constant 0 : i32
    %dma_start3A_135 = tpu.memref_slice %arg4[%add3A_133, %dma_start3A_134] : memref<4096x2048xf32, #tpu.memory_space<hbm>> -> memref<16x2048xf32, #tpu.memory_space<hbm>>
    %dma_start3A_136 = arith.constant 0 : i32
    %dma_start3A_137 = tpu.memref_slice %arg4[%add3A_133, %dma_start3A_136] : memref<4096x2048xf32, #tpu.memory_space<hbm>> -> memref<16x2048xf32, #tpu.memory_space<hbm>>
    tpu.enqueue_dma source(%arg6 : memref<16x2048xf32, #tpu.memory_space<vmem>>) target(%dma_start3A_137 : memref<16x2048xf32, #tpu.memory_space<hbm>>) target_semaphore(%arg12 : memref<!tpu.dma_semaphore, #tpu.memory_space<semaphore_mem>>)
    %dma_wait3A_138 = arith.constant 112 : i32
    %dma_wait3A_139 = tpu.memref_slice %arg5[%dma_wait3A_138] : memref<128xi32, #tpu.memory_space<vmem>> -> memref<16xi32, #tpu.memory_space<vmem>>
    %dma_wait3A_140 = arith.constant 0 : i32
    %dma_wait3A_141 = arith.constant 0 : i32
    %dma_wait3A_142 = tpu.memref_slice %arg2[%dma_wait3A_140, %dma_wait3A_141] : memref<16384x2048xf32, #tpu.memory_space<hbm>> -> memref<16384x2048xf32, #tpu.memory_space<hbm>>
    tpu.wait_indirect_dma semaphore(%arg10 : memref<!tpu.dma_semaphore, #tpu.memory_space<semaphore_mem>>) src(%dma_wait3A_142 : memref<16384x2048xf32, #tpu.memory_space<hbm>>) dst(%arg7 : memref<16x2048xf32, #tpu.memory_space<vmem>>)
    %add3A_143 = arith.constant 112 : i32
    %add3A_144 = arith.addi %mul3A_2, %add3A_143 : i32
    %dma_start3A_145 = arith.constant 0 : i32
    %dma_start3A_146 = tpu.memref_slice %arg4[%add3A_144, %dma_start3A_145] : memref<4096x2048xf32, #tpu.memory_space<hbm>> -> memref<16x2048xf32, #tpu.memory_space<hbm>>
    %dma_start3A_147 = arith.constant 0 : i32
    %dma_start3A_148 = tpu.memref_slice %arg4[%add3A_144, %dma_start3A_147] : memref<4096x2048xf32, #tpu.memory_space<hbm>> -> memref<16x2048xf32, #tpu.memory_space<hbm>>
    tpu.enqueue_dma source(%arg7 : memref<16x2048xf32, #tpu.memory_space<vmem>>) target(%dma_start3A_148 : memref<16x2048xf32, #tpu.memory_space<hbm>>) target_semaphore(%arg13 : memref<!tpu.dma_semaphore, #tpu.memory_space<semaphore_mem>>)
    %dma_wait3A_149 = arith.constant 0 : i32
    %dma_wait3A_150 = tpu.memref_slice %arg4[%add3A_122, %dma_wait3A_149] : memref<4096x2048xf32, #tpu.memory_space<hbm>> -> memref<16x2048xf32, #tpu.memory_space<hbm>>
    %dma_wait3A_151 = arith.constant 0 : i32
    %dma_wait3A_152 = tpu.memref_slice %arg4[%add3A_122, %dma_wait3A_151] : memref<4096x2048xf32, #tpu.memory_space<hbm>> -> memref<16x2048xf32, #tpu.memory_space<hbm>>
    tpu.wait_dma2 semaphore(%arg14 : memref<!tpu.dma_semaphore, #tpu.memory_space<semaphore_mem>>) src(%arg8 : memref<16x2048xf32, #tpu.memory_space<vmem>>) dst(%dma_wait3A_152 : memref<16x2048xf32, #tpu.memory_space<hbm>>)
    %dma_wait3A_153 = arith.constant 0 : i32
    %dma_wait3A_154 = tpu.memref_slice %arg4[%add3A_133, %dma_wait3A_153] : memref<4096x2048xf32, #tpu.memory_space<hbm>> -> memref<16x2048xf32, #tpu.memory_space<hbm>>
    %dma_wait3A_155 = arith.constant 0 : i32
    %dma_wait3A_156 = tpu.memref_slice %arg4[%add3A_133, %dma_wait3A_155] : memref<4096x2048xf32, #tpu.memory_space<hbm>> -> memref<16x2048xf32, #tpu.memory_space<hbm>>
    tpu.wait_dma2 semaphore(%arg12 : memref<!tpu.dma_semaphore, #tpu.memory_space<semaphore_mem>>) src(%arg6 : memref<16x2048xf32, #tpu.memory_space<vmem>>) dst(%dma_wait3A_156 : memref<16x2048xf32, #tpu.memory_space<hbm>>)
    %dma_wait3A_157 = arith.constant 0 : i32
    %dma_wait3A_158 = tpu.memref_slice %arg4[%add3A_144, %dma_wait3A_157] : memref<4096x2048xf32, #tpu.memory_space<hbm>> -> memref<16x2048xf32, #tpu.memory_space<hbm>>
    %dma_wait3A_159 = arith.constant 0 : i32
    %dma_wait3A_160 = tpu.memref_slice %arg4[%add3A_144, %dma_wait3A_159] : memref<4096x2048xf32, #tpu.memory_space<hbm>> -> memref<16x2048xf32, #tpu.memory_space<hbm>>
    tpu.wait_dma2 semaphore(%arg13 : memref<!tpu.dma_semaphore, #tpu.memory_space<semaphore_mem>>) src(%arg7 : memref<16x2048xf32, #tpu.memory_space<vmem>>) dst(%dma_wait3A_160 : memref<16x2048xf32, #tpu.memory_space<hbm>>)
    return
  }
}

module attributes {stable_mosaic.version = 14 : i64} {
  func.func @_topk_idx_kernel(%arg0: i32, %arg1: memref<1x32x4096xf32, #tpu.memory_space<vmem>>, %arg2: memref<1x1x1024xi32, #tpu.memory_space<vmem>>) attributes {dimension_semantics = [#tpu.dimension_semantics<arbitrary>], iteration_bounds = array<i64: 4>, scalar_prefetch = 0 : i64, scratch_operands = 0 : i64, tpu.core_type = #tpu.core_type<tc>, window_params = [{transform_indices = @transform_0, window_bounds = array<i64: 1, 32, 4096>}, {transform_indices = @transform_1, window_bounds = array<i64: 1, 1, 1024>}]} {
    %get3A = arith.constant 0 : index
    %get3A_0 = arith.constant 0 : index
    %get3A_1 = arith.constant 0 : index
    %get3A_2 = vector.load %arg1[%get3A, %get3A_0, %get3A_1] : memref<1x32x4096xf32, #tpu.memory_space<vmem>>, vector<1x32x4096xf32>
    %get3A_3 = vector.shape_cast %get3A_2 : vector<1x32x4096xf32> to vector<32x4096xf32>
    %slice3A = vector.extract_strided_slice %get3A_3 {offsets = [0, 0], sizes = [8, 4096], strides = [1, 1]} : vector<32x4096xf32> to vector<8x4096xf32>
    %slice3A_4 = vector.extract_strided_slice %get3A_3 {offsets = [8, 0], sizes = [8, 4096], strides = [1, 1]} : vector<32x4096xf32> to vector<8x4096xf32>
    %add3A = arith.addf %slice3A, %slice3A_4 : vector<8x4096xf32>
    %slice3A_5 = vector.extract_strided_slice %get3A_3 {offsets = [16, 0], sizes = [8, 4096], strides = [1, 1]} : vector<32x4096xf32> to vector<8x4096xf32>
    %add3A_6 = arith.addf %add3A, %slice3A_5 : vector<8x4096xf32>
    %slice3A_7 = vector.extract_strided_slice %get3A_3 {offsets = [24, 0], sizes = [8, 4096], strides = [1, 1]} : vector<32x4096xf32> to vector<8x4096xf32>
    %add3A_8 = arith.addf %add3A_6, %slice3A_7 : vector<8x4096xf32>
    %slice3A_9 = vector.extract_strided_slice %add3A_8 {offsets = [0, 0], sizes = [4, 4096], strides = [1, 1]} : vector<8x4096xf32> to vector<4x4096xf32>
    %slice3A_10 = vector.extract_strided_slice %add3A_8 {offsets = [4, 0], sizes = [4, 4096], strides = [1, 1]} : vector<8x4096xf32> to vector<4x4096xf32>
    %add3A_11 = arith.addf %slice3A_9, %slice3A_10 : vector<4x4096xf32>
    %slice3A_12 = vector.extract_strided_slice %add3A_11 {offsets = [0, 0], sizes = [2, 4096], strides = [1, 1]} : vector<4x4096xf32> to vector<2x4096xf32>
    %slice3A_13 = vector.extract_strided_slice %add3A_11 {offsets = [2, 0], sizes = [2, 4096], strides = [1, 1]} : vector<4x4096xf32> to vector<2x4096xf32>
    %add3A_14 = arith.addf %slice3A_12, %slice3A_13 : vector<2x4096xf32>
    %slice3A_15 = vector.extract_strided_slice %add3A_14 {offsets = [0, 0], sizes = [1, 4096], strides = [1, 1]} : vector<2x4096xf32> to vector<1x4096xf32>
    %slice3A_16 = vector.extract_strided_slice %add3A_14 {offsets = [1, 0], sizes = [1, 4096], strides = [1, 1]} : vector<2x4096xf32> to vector<1x4096xf32>
    %add3A_17 = arith.addf %slice3A_15, %slice3A_16 : vector<1x4096xf32>
    %mul3A = arith.constant 3.125000e-02 : f32
    %mul3A_18 = vector.broadcast %mul3A : f32 to vector<1x4096xf32>
    %mul3A_19 = arith.mulf %add3A_17, %mul3A_18 : vector<1x4096xf32>
    %reshape3A = vector.shape_cast %mul3A_19 : vector<1x4096xf32> to vector<4096x1xf32>
    %slice3A_20 = vector.extract_strided_slice %reshape3A {offsets = [0, 0], sizes = [512, 1], strides = [1, 1]} : vector<4096x1xf32> to vector<512x1xf32>
    %iota3A = tpu.iota {dimensions = array<i32: 0>} : vector<512x1xi32>
    %add3A_21 = arith.constant 0 : i32
    %add3A_22 = vector.broadcast %add3A_21 : i32 to vector<512x1xi32>
    %add3A_23 = arith.addi %iota3A, %add3A_22 : vector<512x1xi32>
    %slice3A_24 = vector.extract_strided_slice %mul3A_19 {offsets = [0, 0], sizes = [1, 512], strides = [1, 1]} : vector<1x4096xf32> to vector<1x512xf32>
    %iota3A_25 = tpu.iota {dimensions = array<i32: 1>} : vector<1x512xi32>
    %add3A_26 = arith.constant 0 : i32
    %add3A_27 = vector.broadcast %add3A_26 : i32 to vector<1x512xi32>
    %add3A_28 = arith.addi %iota3A_25, %add3A_27 : vector<1x512xi32>
    %eq3A = vector.broadcast %slice3A_24 : vector<1x512xf32> to vector<512x512xf32>
    %eq3A_29 = vector.broadcast %slice3A_20 : vector<512x1xf32> to vector<512x512xf32>
    %eq3A_30 = arith.cmpf oeq, %eq3A, %eq3A_29 : vector<512x512xf32>
    %lt3A = vector.broadcast %add3A_28 : vector<1x512xi32> to vector<512x512xi32>
    %lt3A_31 = vector.broadcast %add3A_23 : vector<512x1xi32> to vector<512x512xi32>
    %lt3A_32 = arith.cmpi slt, %lt3A, %lt3A_31 : vector<512x512xi32>
    %and3A = arith.andi %eq3A_30, %lt3A_32 : vector<512x512xi1>
    %gt3A = vector.broadcast %slice3A_24 : vector<1x512xf32> to vector<512x512xf32>
    %gt3A_33 = vector.broadcast %slice3A_20 : vector<512x1xf32> to vector<512x512xf32>
    %gt3A_34 = arith.cmpf ogt, %gt3A, %gt3A_33 : vector<512x512xf32>
    %or3A = arith.ori %gt3A_34, %and3A : vector<512x512xi1>
    %jit3A = arith.constant 1.000000e+00 : f32
    %jit3A_35 = arith.constant 0.000000e+00 : f32
    %broadcast_in_dim3A = vector.broadcast %jit3A : f32 to vector<512x512xf32>
    %broadcast_in_dim3A_36 = vector.broadcast %jit3A_35 : f32 to vector<512x512xf32>
    %select_n3A = arith.select %or3A, %broadcast_in_dim3A, %broadcast_in_dim3A_36 : vector<512x512xi1>, vector<512x512xf32>
    %reduce_sum3A = arith.constant dense<0.000000e+00> : vector<512xf32>
    %reduce_sum3A_37 = vector.multi_reduction <add>, %select_n3A, %reduce_sum3A [1] : vector<512x512xf32> to vector<512xf32>
    %broadcast_in_dim3A_38 = vector.shape_cast %reduce_sum3A_37 : vector<512xf32> to vector<512x1xf32>
    %slice3A_39 = vector.extract_strided_slice %mul3A_19 {offsets = [0, 512], sizes = [1, 512], strides = [1, 1]} : vector<1x4096xf32> to vector<1x512xf32>
    %gt3A_40 = vector.broadcast %slice3A_39 : vector<1x512xf32> to vector<512x512xf32>
    %gt3A_41 = vector.broadcast %slice3A_20 : vector<512x1xf32> to vector<512x512xf32>
    %gt3A_42 = arith.cmpf ogt, %gt3A_40, %gt3A_41 : vector<512x512xf32>
    %jit3A_43 = arith.constant 1.000000e+00 : f32
    %jit3A_44 = arith.constant 0.000000e+00 : f32
    %broadcast_in_dim3A_45 = vector.broadcast %jit3A_43 : f32 to vector<512x512xf32>
    %broadcast_in_dim3A_46 = vector.broadcast %jit3A_44 : f32 to vector<512x512xf32>
    %select_n3A_47 = arith.select %gt3A_42, %broadcast_in_dim3A_45, %broadcast_in_dim3A_46 : vector<512x512xi1>, vector<512x512xf32>
    %reduce_sum3A_48 = arith.constant dense<0.000000e+00> : vector<512xf32>
    %reduce_sum3A_49 = vector.multi_reduction <add>, %select_n3A_47, %reduce_sum3A_48 [0] : vector<512x512xf32> to vector<512xf32>
    %broadcast_in_dim3A_50 = vector.shape_cast %reduce_sum3A_49 : vector<512xf32> to vector<1x512xf32>
    %sub3A = arith.constant 5.120000e+02 : f32
    %sub3A_51 = vector.broadcast %sub3A : f32 to vector<1x512xf32>
    %sub3A_52 = arith.subf %sub3A_51, %broadcast_in_dim3A_50 : vector<1x512xf32>
    %reduce_sum3A_53 = arith.constant dense<0.000000e+00> : vector<512xf32>
    %reduce_sum3A_54 = vector.multi_reduction <add>, %select_n3A_47, %reduce_sum3A_53 [1] : vector<512x512xf32> to vector<512xf32>
    %broadcast_in_dim3A_55 = vector.shape_cast %reduce_sum3A_54 : vector<512xf32> to vector<512x1xf32>
    %add3A_56 = arith.addf %broadcast_in_dim3A_38, %broadcast_in_dim3A_55 : vector<512x1xf32>
    %slice3A_57 = vector.extract_strided_slice %mul3A_19 {offsets = [0, 1024], sizes = [1, 512], strides = [1, 1]} : vector<1x4096xf32> to vector<1x512xf32>
    %gt3A_58 = vector.broadcast %slice3A_57 : vector<1x512xf32> to vector<512x512xf32>
    %gt3A_59 = vector.broadcast %slice3A_20 : vector<512x1xf32> to vector<512x512xf32>
    %gt3A_60 = arith.cmpf ogt, %gt3A_58, %gt3A_59 : vector<512x512xf32>
    %jit3A_61 = arith.constant 1.000000e+00 : f32
    %jit3A_62 = arith.constant 0.000000e+00 : f32
    %broadcast_in_dim3A_63 = vector.broadcast %jit3A_61 : f32 to vector<512x512xf32>
    %broadcast_in_dim3A_64 = vector.broadcast %jit3A_62 : f32 to vector<512x512xf32>
    %select_n3A_65 = arith.select %gt3A_60, %broadcast_in_dim3A_63, %broadcast_in_dim3A_64 : vector<512x512xi1>, vector<512x512xf32>
    %reduce_sum3A_66 = arith.constant dense<0.000000e+00> : vector<512xf32>
    %reduce_sum3A_67 = vector.multi_reduction <add>, %select_n3A_65, %reduce_sum3A_66 [0] : vector<512x512xf32> to vector<512xf32>
    %broadcast_in_dim3A_68 = vector.shape_cast %reduce_sum3A_67 : vector<512xf32> to vector<1x512xf32>
    %sub3A_69 = arith.constant 5.120000e+02 : f32
    %sub3A_70 = vector.broadcast %sub3A_69 : f32 to vector<1x512xf32>
    %sub3A_71 = arith.subf %sub3A_70, %broadcast_in_dim3A_68 : vector<1x512xf32>
    %reduce_sum3A_72 = arith.constant dense<0.000000e+00> : vector<512xf32>
    %reduce_sum3A_73 = vector.multi_reduction <add>, %select_n3A_65, %reduce_sum3A_72 [1] : vector<512x512xf32> to vector<512xf32>
    %broadcast_in_dim3A_74 = vector.shape_cast %reduce_sum3A_73 : vector<512xf32> to vector<512x1xf32>
    %add3A_75 = arith.addf %add3A_56, %broadcast_in_dim3A_74 : vector<512x1xf32>
    %slice3A_76 = vector.extract_strided_slice %mul3A_19 {offsets = [0, 1536], sizes = [1, 512], strides = [1, 1]} : vector<1x4096xf32> to vector<1x512xf32>
    %gt3A_77 = vector.broadcast %slice3A_76 : vector<1x512xf32> to vector<512x512xf32>
    %gt3A_78 = vector.broadcast %slice3A_20 : vector<512x1xf32> to vector<512x512xf32>
    %gt3A_79 = arith.cmpf ogt, %gt3A_77, %gt3A_78 : vector<512x512xf32>
    %jit3A_80 = arith.constant 1.000000e+00 : f32
    %jit3A_81 = arith.constant 0.000000e+00 : f32
    %broadcast_in_dim3A_82 = vector.broadcast %jit3A_80 : f32 to vector<512x512xf32>
    %broadcast_in_dim3A_83 = vector.broadcast %jit3A_81 : f32 to vector<512x512xf32>
    %select_n3A_84 = arith.select %gt3A_79, %broadcast_in_dim3A_82, %broadcast_in_dim3A_83 : vector<512x512xi1>, vector<512x512xf32>
    %reduce_sum3A_85 = arith.constant dense<0.000000e+00> : vector<512xf32>
    %reduce_sum3A_86 = vector.multi_reduction <add>, %select_n3A_84, %reduce_sum3A_85 [0] : vector<512x512xf32> to vector<512xf32>
    %broadcast_in_dim3A_87 = vector.shape_cast %reduce_sum3A_86 : vector<512xf32> to vector<1x512xf32>
    %sub3A_88 = arith.constant 5.120000e+02 : f32
    %sub3A_89 = vector.broadcast %sub3A_88 : f32 to vector<1x512xf32>
    %sub3A_90 = arith.subf %sub3A_89, %broadcast_in_dim3A_87 : vector<1x512xf32>
    %reduce_sum3A_91 = arith.constant dense<0.000000e+00> : vector<512xf32>
    %reduce_sum3A_92 = vector.multi_reduction <add>, %select_n3A_84, %reduce_sum3A_91 [1] : vector<512x512xf32> to vector<512xf32>
    %broadcast_in_dim3A_93 = vector.shape_cast %reduce_sum3A_92 : vector<512xf32> to vector<512x1xf32>
    %add3A_94 = arith.addf %add3A_75, %broadcast_in_dim3A_93 : vector<512x1xf32>
    %slice3A_95 = vector.extract_strided_slice %mul3A_19 {offsets = [0, 2048], sizes = [1, 512], strides = [1, 1]} : vector<1x4096xf32> to vector<1x512xf32>
    %gt3A_96 = vector.broadcast %slice3A_95 : vector<1x512xf32> to vector<512x512xf32>
    %gt3A_97 = vector.broadcast %slice3A_20 : vector<512x1xf32> to vector<512x512xf32>
    %gt3A_98 = arith.cmpf ogt, %gt3A_96, %gt3A_97 : vector<512x512xf32>
    %jit3A_99 = arith.constant 1.000000e+00 : f32
    %jit3A_100 = arith.constant 0.000000e+00 : f32
    %broadcast_in_dim3A_101 = vector.broadcast %jit3A_99 : f32 to vector<512x512xf32>
    %broadcast_in_dim3A_102 = vector.broadcast %jit3A_100 : f32 to vector<512x512xf32>
    %select_n3A_103 = arith.select %gt3A_98, %broadcast_in_dim3A_101, %broadcast_in_dim3A_102 : vector<512x512xi1>, vector<512x512xf32>
    %reduce_sum3A_104 = arith.constant dense<0.000000e+00> : vector<512xf32>
    %reduce_sum3A_105 = vector.multi_reduction <add>, %select_n3A_103, %reduce_sum3A_104 [0] : vector<512x512xf32> to vector<512xf32>
    %broadcast_in_dim3A_106 = vector.shape_cast %reduce_sum3A_105 : vector<512xf32> to vector<1x512xf32>
    %sub3A_107 = arith.constant 5.120000e+02 : f32
    %sub3A_108 = vector.broadcast %sub3A_107 : f32 to vector<1x512xf32>
    %sub3A_109 = arith.subf %sub3A_108, %broadcast_in_dim3A_106 : vector<1x512xf32>
    %reduce_sum3A_110 = arith.constant dense<0.000000e+00> : vector<512xf32>
    %reduce_sum3A_111 = vector.multi_reduction <add>, %select_n3A_103, %reduce_sum3A_110 [1] : vector<512x512xf32> to vector<512xf32>
    %broadcast_in_dim3A_112 = vector.shape_cast %reduce_sum3A_111 : vector<512xf32> to vector<512x1xf32>
    %add3A_113 = arith.addf %add3A_94, %broadcast_in_dim3A_112 : vector<512x1xf32>
    %slice3A_114 = vector.extract_strided_slice %mul3A_19 {offsets = [0, 2560], sizes = [1, 512], strides = [1, 1]} : vector<1x4096xf32> to vector<1x512xf32>
    %gt3A_115 = vector.broadcast %slice3A_114 : vector<1x512xf32> to vector<512x512xf32>
    %gt3A_116 = vector.broadcast %slice3A_20 : vector<512x1xf32> to vector<512x512xf32>
    %gt3A_117 = arith.cmpf ogt, %gt3A_115, %gt3A_116 : vector<512x512xf32>
    %jit3A_118 = arith.constant 1.000000e+00 : f32
    %jit3A_119 = arith.constant 0.000000e+00 : f32
    %broadcast_in_dim3A_120 = vector.broadcast %jit3A_118 : f32 to vector<512x512xf32>
    %broadcast_in_dim3A_121 = vector.broadcast %jit3A_119 : f32 to vector<512x512xf32>
    %select_n3A_122 = arith.select %gt3A_117, %broadcast_in_dim3A_120, %broadcast_in_dim3A_121 : vector<512x512xi1>, vector<512x512xf32>
    %reduce_sum3A_123 = arith.constant dense<0.000000e+00> : vector<512xf32>
    %reduce_sum3A_124 = vector.multi_reduction <add>, %select_n3A_122, %reduce_sum3A_123 [0] : vector<512x512xf32> to vector<512xf32>
    %broadcast_in_dim3A_125 = vector.shape_cast %reduce_sum3A_124 : vector<512xf32> to vector<1x512xf32>
    %sub3A_126 = arith.constant 5.120000e+02 : f32
    %sub3A_127 = vector.broadcast %sub3A_126 : f32 to vector<1x512xf32>
    %sub3A_128 = arith.subf %sub3A_127, %broadcast_in_dim3A_125 : vector<1x512xf32>
    %reduce_sum3A_129 = arith.constant dense<0.000000e+00> : vector<512xf32>
    %reduce_sum3A_130 = vector.multi_reduction <add>, %select_n3A_122, %reduce_sum3A_129 [1] : vector<512x512xf32> to vector<512xf32>
    %broadcast_in_dim3A_131 = vector.shape_cast %reduce_sum3A_130 : vector<512xf32> to vector<512x1xf32>
    %add3A_132 = arith.addf %add3A_113, %broadcast_in_dim3A_131 : vector<512x1xf32>
    %slice3A_133 = vector.extract_strided_slice %mul3A_19 {offsets = [0, 3072], sizes = [1, 512], strides = [1, 1]} : vector<1x4096xf32> to vector<1x512xf32>
    %gt3A_134 = vector.broadcast %slice3A_133 : vector<1x512xf32> to vector<512x512xf32>
    %gt3A_135 = vector.broadcast %slice3A_20 : vector<512x1xf32> to vector<512x512xf32>
    %gt3A_136 = arith.cmpf ogt, %gt3A_134, %gt3A_135 : vector<512x512xf32>
    %jit3A_137 = arith.constant 1.000000e+00 : f32
    %jit3A_138 = arith.constant 0.000000e+00 : f32
    %broadcast_in_dim3A_139 = vector.broadcast %jit3A_137 : f32 to vector<512x512xf32>
    %broadcast_in_dim3A_140 = vector.broadcast %jit3A_138 : f32 to vector<512x512xf32>
    %select_n3A_141 = arith.select %gt3A_136, %broadcast_in_dim3A_139, %broadcast_in_dim3A_140 : vector<512x512xi1>, vector<512x512xf32>
    %reduce_sum3A_142 = arith.constant dense<0.000000e+00> : vector<512xf32>
    %reduce_sum3A_143 = vector.multi_reduction <add>, %select_n3A_141, %reduce_sum3A_142 [0] : vector<512x512xf32> to vector<512xf32>
    %broadcast_in_dim3A_144 = vector.shape_cast %reduce_sum3A_143 : vector<512xf32> to vector<1x512xf32>
    %sub3A_145 = arith.constant 5.120000e+02 : f32
    %sub3A_146 = vector.broadcast %sub3A_145 : f32 to vector<1x512xf32>
    %sub3A_147 = arith.subf %sub3A_146, %broadcast_in_dim3A_144 : vector<1x512xf32>
    %reduce_sum3A_148 = arith.constant dense<0.000000e+00> : vector<512xf32>
    %reduce_sum3A_149 = vector.multi_reduction <add>, %select_n3A_141, %reduce_sum3A_148 [1] : vector<512x512xf32> to vector<512xf32>
    %broadcast_in_dim3A_150 = vector.shape_cast %reduce_sum3A_149 : vector<512xf32> to vector<512x1xf32>
    %add3A_151 = arith.addf %add3A_132, %broadcast_in_dim3A_150 : vector<512x1xf32>
    %slice3A_152 = vector.extract_strided_slice %mul3A_19 {offsets = [0, 3584], sizes = [1, 512], strides = [1, 1]} : vector<1x4096xf32> to vector<1x512xf32>
    %gt3A_153 = vector.broadcast %slice3A_152 : vector<1x512xf32> to vector<512x512xf32>
    %gt3A_154 = vector.broadcast %slice3A_20 : vector<512x1xf32> to vector<512x512xf32>
    %gt3A_155 = arith.cmpf ogt, %gt3A_153, %gt3A_154 : vector<512x512xf32>
    %jit3A_156 = arith.constant 1.000000e+00 : f32
    %jit3A_157 = arith.constant 0.000000e+00 : f32
    %broadcast_in_dim3A_158 = vector.broadcast %jit3A_156 : f32 to vector<512x512xf32>
    %broadcast_in_dim3A_159 = vector.broadcast %jit3A_157 : f32 to vector<512x512xf32>
    %select_n3A_160 = arith.select %gt3A_155, %broadcast_in_dim3A_158, %broadcast_in_dim3A_159 : vector<512x512xi1>, vector<512x512xf32>
    %reduce_sum3A_161 = arith.constant dense<0.000000e+00> : vector<512xf32>
    %reduce_sum3A_162 = vector.multi_reduction <add>, %select_n3A_160, %reduce_sum3A_161 [0] : vector<512x512xf32> to vector<512xf32>
    %broadcast_in_dim3A_163 = vector.shape_cast %reduce_sum3A_162 : vector<512xf32> to vector<1x512xf32>
    %sub3A_164 = arith.constant 5.120000e+02 : f32
    %sub3A_165 = vector.broadcast %sub3A_164 : f32 to vector<1x512xf32>
    %sub3A_166 = arith.subf %sub3A_165, %broadcast_in_dim3A_163 : vector<1x512xf32>
    %reduce_sum3A_167 = arith.constant dense<0.000000e+00> : vector<512xf32>
    %reduce_sum3A_168 = vector.multi_reduction <add>, %select_n3A_160, %reduce_sum3A_167 [1] : vector<512x512xf32> to vector<512xf32>
    %broadcast_in_dim3A_169 = vector.shape_cast %reduce_sum3A_168 : vector<512xf32> to vector<512x1xf32>
    %add3A_170 = arith.addf %add3A_151, %broadcast_in_dim3A_169 : vector<512x1xf32>
    %slice3A_171 = vector.extract_strided_slice %reshape3A {offsets = [512, 0], sizes = [512, 1], strides = [1, 1]} : vector<4096x1xf32> to vector<512x1xf32>
    %iota3A_172 = tpu.iota {dimensions = array<i32: 0>} : vector<512x1xi32>
    %add3A_173 = arith.constant 512 : i32
    %add3A_174 = vector.broadcast %add3A_173 : i32 to vector<512x1xi32>
    %add3A_175 = arith.addi %iota3A_172, %add3A_174 : vector<512x1xi32>
    %slice3A_176 = vector.extract_strided_slice %mul3A_19 {offsets = [0, 512], sizes = [1, 512], strides = [1, 1]} : vector<1x4096xf32> to vector<1x512xf32>
    %iota3A_177 = tpu.iota {dimensions = array<i32: 1>} : vector<1x512xi32>
    %add3A_178 = arith.constant 512 : i32
    %add3A_179 = vector.broadcast %add3A_178 : i32 to vector<1x512xi32>
    %add3A_180 = arith.addi %iota3A_177, %add3A_179 : vector<1x512xi32>
    %eq3A_181 = vector.broadcast %slice3A_176 : vector<1x512xf32> to vector<512x512xf32>
    %eq3A_182 = vector.broadcast %slice3A_171 : vector<512x1xf32> to vector<512x512xf32>
    %eq3A_183 = arith.cmpf oeq, %eq3A_181, %eq3A_182 : vector<512x512xf32>
    %lt3A_184 = vector.broadcast %add3A_180 : vector<1x512xi32> to vector<512x512xi32>
    %lt3A_185 = vector.broadcast %add3A_175 : vector<512x1xi32> to vector<512x512xi32>
    %lt3A_186 = arith.cmpi slt, %lt3A_184, %lt3A_185 : vector<512x512xi32>
    %and3A_187 = arith.andi %eq3A_183, %lt3A_186 : vector<512x512xi1>
    %gt3A_188 = vector.broadcast %slice3A_176 : vector<1x512xf32> to vector<512x512xf32>
    %gt3A_189 = vector.broadcast %slice3A_171 : vector<512x1xf32> to vector<512x512xf32>
    %gt3A_190 = arith.cmpf ogt, %gt3A_188, %gt3A_189 : vector<512x512xf32>
    %or3A_191 = arith.ori %gt3A_190, %and3A_187 : vector<512x512xi1>
    %jit3A_192 = arith.constant 1.000000e+00 : f32
    %jit3A_193 = arith.constant 0.000000e+00 : f32
    %broadcast_in_dim3A_194 = vector.broadcast %jit3A_192 : f32 to vector<512x512xf32>
    %broadcast_in_dim3A_195 = vector.broadcast %jit3A_193 : f32 to vector<512x512xf32>
    %select_n3A_196 = arith.select %or3A_191, %broadcast_in_dim3A_194, %broadcast_in_dim3A_195 : vector<512x512xi1>, vector<512x512xf32>
    %reduce_sum3A_197 = arith.constant dense<0.000000e+00> : vector<512xf32>
    %reduce_sum3A_198 = vector.multi_reduction <add>, %select_n3A_196, %reduce_sum3A_197 [1] : vector<512x512xf32> to vector<512xf32>
    %broadcast_in_dim3A_199 = vector.shape_cast %reduce_sum3A_198 : vector<512xf32> to vector<512x1xf32>
    %slice3A_200 = vector.extract_strided_slice %mul3A_19 {offsets = [0, 1024], sizes = [1, 512], strides = [1, 1]} : vector<1x4096xf32> to vector<1x512xf32>
    %gt3A_201 = vector.broadcast %slice3A_200 : vector<1x512xf32> to vector<512x512xf32>
    %gt3A_202 = vector.broadcast %slice3A_171 : vector<512x1xf32> to vector<512x512xf32>
    %gt3A_203 = arith.cmpf ogt, %gt3A_201, %gt3A_202 : vector<512x512xf32>
    %jit3A_204 = arith.constant 1.000000e+00 : f32
    %jit3A_205 = arith.constant 0.000000e+00 : f32
    %broadcast_in_dim3A_206 = vector.broadcast %jit3A_204 : f32 to vector<512x512xf32>
    %broadcast_in_dim3A_207 = vector.broadcast %jit3A_205 : f32 to vector<512x512xf32>
    %select_n3A_208 = arith.select %gt3A_203, %broadcast_in_dim3A_206, %broadcast_in_dim3A_207 : vector<512x512xi1>, vector<512x512xf32>
    %reduce_sum3A_209 = arith.constant dense<0.000000e+00> : vector<512xf32>
    %reduce_sum3A_210 = vector.multi_reduction <add>, %select_n3A_208, %reduce_sum3A_209 [0] : vector<512x512xf32> to vector<512xf32>
    %broadcast_in_dim3A_211 = vector.shape_cast %reduce_sum3A_210 : vector<512xf32> to vector<1x512xf32>
    %sub3A_212 = arith.constant 5.120000e+02 : f32
    %sub3A_213 = vector.broadcast %sub3A_212 : f32 to vector<1x512xf32>
    %sub3A_214 = arith.subf %sub3A_213, %broadcast_in_dim3A_211 : vector<1x512xf32>
    %add3A_215 = arith.addf %sub3A_71, %sub3A_214 : vector<1x512xf32>
    %reduce_sum3A_216 = arith.constant dense<0.000000e+00> : vector<512xf32>
    %reduce_sum3A_217 = vector.multi_reduction <add>, %select_n3A_208, %reduce_sum3A_216 [1] : vector<512x512xf32> to vector<512xf32>
    %broadcast_in_dim3A_218 = vector.shape_cast %reduce_sum3A_217 : vector<512xf32> to vector<512x1xf32>
    %add3A_219 = arith.addf %broadcast_in_dim3A_199, %broadcast_in_dim3A_218 : vector<512x1xf32>
    %slice3A_220 = vector.extract_strided_slice %mul3A_19 {offsets = [0, 1536], sizes = [1, 512], strides = [1, 1]} : vector<1x4096xf32> to vector<1x512xf32>
    %gt3A_221 = vector.broadcast %slice3A_220 : vector<1x512xf32> to vector<512x512xf32>
    %gt3A_222 = vector.broadcast %slice3A_171 : vector<512x1xf32> to vector<512x512xf32>
    %gt3A_223 = arith.cmpf ogt, %gt3A_221, %gt3A_222 : vector<512x512xf32>
    %jit3A_224 = arith.constant 1.000000e+00 : f32
    %jit3A_225 = arith.constant 0.000000e+00 : f32
    %broadcast_in_dim3A_226 = vector.broadcast %jit3A_224 : f32 to vector<512x512xf32>
    %broadcast_in_dim3A_227 = vector.broadcast %jit3A_225 : f32 to vector<512x512xf32>
    %select_n3A_228 = arith.select %gt3A_223, %broadcast_in_dim3A_226, %broadcast_in_dim3A_227 : vector<512x512xi1>, vector<512x512xf32>
    %reduce_sum3A_229 = arith.constant dense<0.000000e+00> : vector<512xf32>
    %reduce_sum3A_230 = vector.multi_reduction <add>, %select_n3A_228, %reduce_sum3A_229 [0] : vector<512x512xf32> to vector<512xf32>
    %broadcast_in_dim3A_231 = vector.shape_cast %reduce_sum3A_230 : vector<512xf32> to vector<1x512xf32>
    %sub3A_232 = arith.constant 5.120000e+02 : f32
    %sub3A_233 = vector.broadcast %sub3A_232 : f32 to vector<1x512xf32>
    %sub3A_234 = arith.subf %sub3A_233, %broadcast_in_dim3A_231 : vector<1x512xf32>
    %add3A_235 = arith.addf %sub3A_90, %sub3A_234 : vector<1x512xf32>
    %reduce_sum3A_236 = arith.constant dense<0.000000e+00> : vector<512xf32>
    %reduce_sum3A_237 = vector.multi_reduction <add>, %select_n3A_228, %reduce_sum3A_236 [1] : vector<512x512xf32> to vector<512xf32>
    %broadcast_in_dim3A_238 = vector.shape_cast %reduce_sum3A_237 : vector<512xf32> to vector<512x1xf32>
    %add3A_239 = arith.addf %add3A_219, %broadcast_in_dim3A_238 : vector<512x1xf32>
    %slice3A_240 = vector.extract_strided_slice %mul3A_19 {offsets = [0, 2048], sizes = [1, 512], strides = [1, 1]} : vector<1x4096xf32> to vector<1x512xf32>
    %gt3A_241 = vector.broadcast %slice3A_240 : vector<1x512xf32> to vector<512x512xf32>
    %gt3A_242 = vector.broadcast %slice3A_171 : vector<512x1xf32> to vector<512x512xf32>
    %gt3A_243 = arith.cmpf ogt, %gt3A_241, %gt3A_242 : vector<512x512xf32>
    %jit3A_244 = arith.constant 1.000000e+00 : f32
    %jit3A_245 = arith.constant 0.000000e+00 : f32
    %broadcast_in_dim3A_246 = vector.broadcast %jit3A_244 : f32 to vector<512x512xf32>
    %broadcast_in_dim3A_247 = vector.broadcast %jit3A_245 : f32 to vector<512x512xf32>
    %select_n3A_248 = arith.select %gt3A_243, %broadcast_in_dim3A_246, %broadcast_in_dim3A_247 : vector<512x512xi1>, vector<512x512xf32>
    %reduce_sum3A_249 = arith.constant dense<0.000000e+00> : vector<512xf32>
    %reduce_sum3A_250 = vector.multi_reduction <add>, %select_n3A_248, %reduce_sum3A_249 [0] : vector<512x512xf32> to vector<512xf32>
    %broadcast_in_dim3A_251 = vector.shape_cast %reduce_sum3A_250 : vector<512xf32> to vector<1x512xf32>
    %sub3A_252 = arith.constant 5.120000e+02 : f32
    %sub3A_253 = vector.broadcast %sub3A_252 : f32 to vector<1x512xf32>
    %sub3A_254 = arith.subf %sub3A_253, %broadcast_in_dim3A_251 : vector<1x512xf32>
    %add3A_255 = arith.addf %sub3A_109, %sub3A_254 : vector<1x512xf32>
    %reduce_sum3A_256 = arith.constant dense<0.000000e+00> : vector<512xf32>
    %reduce_sum3A_257 = vector.multi_reduction <add>, %select_n3A_248, %reduce_sum3A_256 [1] : vector<512x512xf32> to vector<512xf32>
    %broadcast_in_dim3A_258 = vector.shape_cast %reduce_sum3A_257 : vector<512xf32> to vector<512x1xf32>
    %add3A_259 = arith.addf %add3A_239, %broadcast_in_dim3A_258 : vector<512x1xf32>
    %slice3A_260 = vector.extract_strided_slice %mul3A_19 {offsets = [0, 2560], sizes = [1, 512], strides = [1, 1]} : vector<1x4096xf32> to vector<1x512xf32>
    %gt3A_261 = vector.broadcast %slice3A_260 : vector<1x512xf32> to vector<512x512xf32>
    %gt3A_262 = vector.broadcast %slice3A_171 : vector<512x1xf32> to vector<512x512xf32>
    %gt3A_263 = arith.cmpf ogt, %gt3A_261, %gt3A_262 : vector<512x512xf32>
    %jit3A_264 = arith.constant 1.000000e+00 : f32
    %jit3A_265 = arith.constant 0.000000e+00 : f32
    %broadcast_in_dim3A_266 = vector.broadcast %jit3A_264 : f32 to vector<512x512xf32>
    %broadcast_in_dim3A_267 = vector.broadcast %jit3A_265 : f32 to vector<512x512xf32>
    %select_n3A_268 = arith.select %gt3A_263, %broadcast_in_dim3A_266, %broadcast_in_dim3A_267 : vector<512x512xi1>, vector<512x512xf32>
    %reduce_sum3A_269 = arith.constant dense<0.000000e+00> : vector<512xf32>
    %reduce_sum3A_270 = vector.multi_reduction <add>, %select_n3A_268, %reduce_sum3A_269 [0] : vector<512x512xf32> to vector<512xf32>
    %broadcast_in_dim3A_271 = vector.shape_cast %reduce_sum3A_270 : vector<512xf32> to vector<1x512xf32>
    %sub3A_272 = arith.constant 5.120000e+02 : f32
    %sub3A_273 = vector.broadcast %sub3A_272 : f32 to vector<1x512xf32>
    %sub3A_274 = arith.subf %sub3A_273, %broadcast_in_dim3A_271 : vector<1x512xf32>
    %add3A_275 = arith.addf %sub3A_128, %sub3A_274 : vector<1x512xf32>
    %reduce_sum3A_276 = arith.constant dense<0.000000e+00> : vector<512xf32>
    %reduce_sum3A_277 = vector.multi_reduction <add>, %select_n3A_268, %reduce_sum3A_276 [1] : vector<512x512xf32> to vector<512xf32>
    %broadcast_in_dim3A_278 = vector.shape_cast %reduce_sum3A_277 : vector<512xf32> to vector<512x1xf32>
    %add3A_279 = arith.addf %add3A_259, %broadcast_in_dim3A_278 : vector<512x1xf32>
    %slice3A_280 = vector.extract_strided_slice %mul3A_19 {offsets = [0, 3072], sizes = [1, 512], strides = [1, 1]} : vector<1x4096xf32> to vector<1x512xf32>
    %gt3A_281 = vector.broadcast %slice3A_280 : vector<1x512xf32> to vector<512x512xf32>
    %gt3A_282 = vector.broadcast %slice3A_171 : vector<512x1xf32> to vector<512x512xf32>
    %gt3A_283 = arith.cmpf ogt, %gt3A_281, %gt3A_282 : vector<512x512xf32>
    %jit3A_284 = arith.constant 1.000000e+00 : f32
    %jit3A_285 = arith.constant 0.000000e+00 : f32
    %broadcast_in_dim3A_286 = vector.broadcast %jit3A_284 : f32 to vector<512x512xf32>
    %broadcast_in_dim3A_287 = vector.broadcast %jit3A_285 : f32 to vector<512x512xf32>
    %select_n3A_288 = arith.select %gt3A_283, %broadcast_in_dim3A_286, %broadcast_in_dim3A_287 : vector<512x512xi1>, vector<512x512xf32>
    %reduce_sum3A_289 = arith.constant dense<0.000000e+00> : vector<512xf32>
    %reduce_sum3A_290 = vector.multi_reduction <add>, %select_n3A_288, %reduce_sum3A_289 [0] : vector<512x512xf32> to vector<512xf32>
    %broadcast_in_dim3A_291 = vector.shape_cast %reduce_sum3A_290 : vector<512xf32> to vector<1x512xf32>
    %sub3A_292 = arith.constant 5.120000e+02 : f32
    %sub3A_293 = vector.broadcast %sub3A_292 : f32 to vector<1x512xf32>
    %sub3A_294 = arith.subf %sub3A_293, %broadcast_in_dim3A_291 : vector<1x512xf32>
    %add3A_295 = arith.addf %sub3A_147, %sub3A_294 : vector<1x512xf32>
    %reduce_sum3A_296 = arith.constant dense<0.000000e+00> : vector<512xf32>
    %reduce_sum3A_297 = vector.multi_reduction <add>, %select_n3A_288, %reduce_sum3A_296 [1] : vector<512x512xf32> to vector<512xf32>
    %broadcast_in_dim3A_298 = vector.shape_cast %reduce_sum3A_297 : vector<512xf32> to vector<512x1xf32>
    %add3A_299 = arith.addf %add3A_279, %broadcast_in_dim3A_298 : vector<512x1xf32>
    %slice3A_300 = vector.extract_strided_slice %mul3A_19 {offsets = [0, 3584], sizes = [1, 512], strides = [1, 1]} : vector<1x4096xf32> to vector<1x512xf32>
    %gt3A_301 = vector.broadcast %slice3A_300 : vector<1x512xf32> to vector<512x512xf32>
    %gt3A_302 = vector.broadcast %slice3A_171 : vector<512x1xf32> to vector<512x512xf32>
    %gt3A_303 = arith.cmpf ogt, %gt3A_301, %gt3A_302 : vector<512x512xf32>
    %jit3A_304 = arith.constant 1.000000e+00 : f32
    %jit3A_305 = arith.constant 0.000000e+00 : f32
    %broadcast_in_dim3A_306 = vector.broadcast %jit3A_304 : f32 to vector<512x512xf32>
    %broadcast_in_dim3A_307 = vector.broadcast %jit3A_305 : f32 to vector<512x512xf32>
    %select_n3A_308 = arith.select %gt3A_303, %broadcast_in_dim3A_306, %broadcast_in_dim3A_307 : vector<512x512xi1>, vector<512x512xf32>
    %reduce_sum3A_309 = arith.constant dense<0.000000e+00> : vector<512xf32>
    %reduce_sum3A_310 = vector.multi_reduction <add>, %select_n3A_308, %reduce_sum3A_309 [0] : vector<512x512xf32> to vector<512xf32>
    %broadcast_in_dim3A_311 = vector.shape_cast %reduce_sum3A_310 : vector<512xf32> to vector<1x512xf32>
    %sub3A_312 = arith.constant 5.120000e+02 : f32
    %sub3A_313 = vector.broadcast %sub3A_312 : f32 to vector<1x512xf32>
    %sub3A_314 = arith.subf %sub3A_313, %broadcast_in_dim3A_311 : vector<1x512xf32>
    %add3A_315 = arith.addf %sub3A_166, %sub3A_314 : vector<1x512xf32>
    %reduce_sum3A_316 = arith.constant dense<0.000000e+00> : vector<512xf32>
    %reduce_sum3A_317 = vector.multi_reduction <add>, %select_n3A_308, %reduce_sum3A_316 [1] : vector<512x512xf32> to vector<512xf32>
    %broadcast_in_dim3A_318 = vector.shape_cast %reduce_sum3A_317 : vector<512xf32> to vector<512x1xf32>
    %add3A_319 = arith.addf %add3A_299, %broadcast_in_dim3A_318 : vector<512x1xf32>
    %slice3A_320 = vector.extract_strided_slice %reshape3A {offsets = [1024, 0], sizes = [512, 1], strides = [1, 1]} : vector<4096x1xf32> to vector<512x1xf32>
    %iota3A_321 = tpu.iota {dimensions = array<i32: 0>} : vector<512x1xi32>
    %add3A_322 = arith.constant 1024 : i32
    %add3A_323 = vector.broadcast %add3A_322 : i32 to vector<512x1xi32>
    %add3A_324 = arith.addi %iota3A_321, %add3A_323 : vector<512x1xi32>
    %slice3A_325 = vector.extract_strided_slice %mul3A_19 {offsets = [0, 1024], sizes = [1, 512], strides = [1, 1]} : vector<1x4096xf32> to vector<1x512xf32>
    %iota3A_326 = tpu.iota {dimensions = array<i32: 1>} : vector<1x512xi32>
    %add3A_327 = arith.constant 1024 : i32
    %add3A_328 = vector.broadcast %add3A_327 : i32 to vector<1x512xi32>
    %add3A_329 = arith.addi %iota3A_326, %add3A_328 : vector<1x512xi32>
    %eq3A_330 = vector.broadcast %slice3A_325 : vector<1x512xf32> to vector<512x512xf32>
    %eq3A_331 = vector.broadcast %slice3A_320 : vector<512x1xf32> to vector<512x512xf32>
    %eq3A_332 = arith.cmpf oeq, %eq3A_330, %eq3A_331 : vector<512x512xf32>
    %lt3A_333 = vector.broadcast %add3A_329 : vector<1x512xi32> to vector<512x512xi32>
    %lt3A_334 = vector.broadcast %add3A_324 : vector<512x1xi32> to vector<512x512xi32>
    %lt3A_335 = arith.cmpi slt, %lt3A_333, %lt3A_334 : vector<512x512xi32>
    %and3A_336 = arith.andi %eq3A_332, %lt3A_335 : vector<512x512xi1>
    %gt3A_337 = vector.broadcast %slice3A_325 : vector<1x512xf32> to vector<512x512xf32>
    %gt3A_338 = vector.broadcast %slice3A_320 : vector<512x1xf32> to vector<512x512xf32>
    %gt3A_339 = arith.cmpf ogt, %gt3A_337, %gt3A_338 : vector<512x512xf32>
    %or3A_340 = arith.ori %gt3A_339, %and3A_336 : vector<512x512xi1>
    %jit3A_341 = arith.constant 1.000000e+00 : f32
    %jit3A_342 = arith.constant 0.000000e+00 : f32
    %broadcast_in_dim3A_343 = vector.broadcast %jit3A_341 : f32 to vector<512x512xf32>
    %broadcast_in_dim3A_344 = vector.broadcast %jit3A_342 : f32 to vector<512x512xf32>
    %select_n3A_345 = arith.select %or3A_340, %broadcast_in_dim3A_343, %broadcast_in_dim3A_344 : vector<512x512xi1>, vector<512x512xf32>
    %reduce_sum3A_346 = arith.constant dense<0.000000e+00> : vector<512xf32>
    %reduce_sum3A_347 = vector.multi_reduction <add>, %select_n3A_345, %reduce_sum3A_346 [1] : vector<512x512xf32> to vector<512xf32>
    %broadcast_in_dim3A_348 = vector.shape_cast %reduce_sum3A_347 : vector<512xf32> to vector<512x1xf32>
    %slice3A_349 = vector.extract_strided_slice %mul3A_19 {offsets = [0, 1536], sizes = [1, 512], strides = [1, 1]} : vector<1x4096xf32> to vector<1x512xf32>
    %gt3A_350 = vector.broadcast %slice3A_349 : vector<1x512xf32> to vector<512x512xf32>
    %gt3A_351 = vector.broadcast %slice3A_320 : vector<512x1xf32> to vector<512x512xf32>
    %gt3A_352 = arith.cmpf ogt, %gt3A_350, %gt3A_351 : vector<512x512xf32>
    %jit3A_353 = arith.constant 1.000000e+00 : f32
    %jit3A_354 = arith.constant 0.000000e+00 : f32
    %broadcast_in_dim3A_355 = vector.broadcast %jit3A_353 : f32 to vector<512x512xf32>
    %broadcast_in_dim3A_356 = vector.broadcast %jit3A_354 : f32 to vector<512x512xf32>
    %select_n3A_357 = arith.select %gt3A_352, %broadcast_in_dim3A_355, %broadcast_in_dim3A_356 : vector<512x512xi1>, vector<512x512xf32>
    %reduce_sum3A_358 = arith.constant dense<0.000000e+00> : vector<512xf32>
    %reduce_sum3A_359 = vector.multi_reduction <add>, %select_n3A_357, %reduce_sum3A_358 [0] : vector<512x512xf32> to vector<512xf32>
    %broadcast_in_dim3A_360 = vector.shape_cast %reduce_sum3A_359 : vector<512xf32> to vector<1x512xf32>
    %sub3A_361 = arith.constant 5.120000e+02 : f32
    %sub3A_362 = vector.broadcast %sub3A_361 : f32 to vector<1x512xf32>
    %sub3A_363 = arith.subf %sub3A_362, %broadcast_in_dim3A_360 : vector<1x512xf32>
    %add3A_364 = arith.addf %add3A_235, %sub3A_363 : vector<1x512xf32>
    %reduce_sum3A_365 = arith.constant dense<0.000000e+00> : vector<512xf32>
    %reduce_sum3A_366 = vector.multi_reduction <add>, %select_n3A_357, %reduce_sum3A_365 [1] : vector<512x512xf32> to vector<512xf32>
    %broadcast_in_dim3A_367 = vector.shape_cast %reduce_sum3A_366 : vector<512xf32> to vector<512x1xf32>
    %add3A_368 = arith.addf %broadcast_in_dim3A_348, %broadcast_in_dim3A_367 : vector<512x1xf32>
    %slice3A_369 = vector.extract_strided_slice %mul3A_19 {offsets = [0, 2048], sizes = [1, 512], strides = [1, 1]} : vector<1x4096xf32> to vector<1x512xf32>
    %gt3A_370 = vector.broadcast %slice3A_369 : vector<1x512xf32> to vector<512x512xf32>
    %gt3A_371 = vector.broadcast %slice3A_320 : vector<512x1xf32> to vector<512x512xf32>
    %gt3A_372 = arith.cmpf ogt, %gt3A_370, %gt3A_371 : vector<512x512xf32>
    %jit3A_373 = arith.constant 1.000000e+00 : f32
    %jit3A_374 = arith.constant 0.000000e+00 : f32
    %broadcast_in_dim3A_375 = vector.broadcast %jit3A_373 : f32 to vector<512x512xf32>
    %broadcast_in_dim3A_376 = vector.broadcast %jit3A_374 : f32 to vector<512x512xf32>
    %select_n3A_377 = arith.select %gt3A_372, %broadcast_in_dim3A_375, %broadcast_in_dim3A_376 : vector<512x512xi1>, vector<512x512xf32>
    %reduce_sum3A_378 = arith.constant dense<0.000000e+00> : vector<512xf32>
    %reduce_sum3A_379 = vector.multi_reduction <add>, %select_n3A_377, %reduce_sum3A_378 [0] : vector<512x512xf32> to vector<512xf32>
    %broadcast_in_dim3A_380 = vector.shape_cast %reduce_sum3A_379 : vector<512xf32> to vector<1x512xf32>
    %sub3A_381 = arith.constant 5.120000e+02 : f32
    %sub3A_382 = vector.broadcast %sub3A_381 : f32 to vector<1x512xf32>
    %sub3A_383 = arith.subf %sub3A_382, %broadcast_in_dim3A_380 : vector<1x512xf32>
    %add3A_384 = arith.addf %add3A_255, %sub3A_383 : vector<1x512xf32>
    %reduce_sum3A_385 = arith.constant dense<0.000000e+00> : vector<512xf32>
    %reduce_sum3A_386 = vector.multi_reduction <add>, %select_n3A_377, %reduce_sum3A_385 [1] : vector<512x512xf32> to vector<512xf32>
    %broadcast_in_dim3A_387 = vector.shape_cast %reduce_sum3A_386 : vector<512xf32> to vector<512x1xf32>
    %add3A_388 = arith.addf %add3A_368, %broadcast_in_dim3A_387 : vector<512x1xf32>
    %slice3A_389 = vector.extract_strided_slice %mul3A_19 {offsets = [0, 2560], sizes = [1, 512], strides = [1, 1]} : vector<1x4096xf32> to vector<1x512xf32>
    %gt3A_390 = vector.broadcast %slice3A_389 : vector<1x512xf32> to vector<512x512xf32>
    %gt3A_391 = vector.broadcast %slice3A_320 : vector<512x1xf32> to vector<512x512xf32>
    %gt3A_392 = arith.cmpf ogt, %gt3A_390, %gt3A_391 : vector<512x512xf32>
    %jit3A_393 = arith.constant 1.000000e+00 : f32
    %jit3A_394 = arith.constant 0.000000e+00 : f32
    %broadcast_in_dim3A_395 = vector.broadcast %jit3A_393 : f32 to vector<512x512xf32>
    %broadcast_in_dim3A_396 = vector.broadcast %jit3A_394 : f32 to vector<512x512xf32>
    %select_n3A_397 = arith.select %gt3A_392, %broadcast_in_dim3A_395, %broadcast_in_dim3A_396 : vector<512x512xi1>, vector<512x512xf32>
    %reduce_sum3A_398 = arith.constant dense<0.000000e+00> : vector<512xf32>
    %reduce_sum3A_399 = vector.multi_reduction <add>, %select_n3A_397, %reduce_sum3A_398 [0] : vector<512x512xf32> to vector<512xf32>
    %broadcast_in_dim3A_400 = vector.shape_cast %reduce_sum3A_399 : vector<512xf32> to vector<1x512xf32>
    %sub3A_401 = arith.constant 5.120000e+02 : f32
    %sub3A_402 = vector.broadcast %sub3A_401 : f32 to vector<1x512xf32>
    %sub3A_403 = arith.subf %sub3A_402, %broadcast_in_dim3A_400 : vector<1x512xf32>
    %add3A_404 = arith.addf %add3A_275, %sub3A_403 : vector<1x512xf32>
    %reduce_sum3A_405 = arith.constant dense<0.000000e+00> : vector<512xf32>
    %reduce_sum3A_406 = vector.multi_reduction <add>, %select_n3A_397, %reduce_sum3A_405 [1] : vector<512x512xf32> to vector<512xf32>
    %broadcast_in_dim3A_407 = vector.shape_cast %reduce_sum3A_406 : vector<512xf32> to vector<512x1xf32>
    %add3A_408 = arith.addf %add3A_388, %broadcast_in_dim3A_407 : vector<512x1xf32>
    %slice3A_409 = vector.extract_strided_slice %mul3A_19 {offsets = [0, 3072], sizes = [1, 512], strides = [1, 1]} : vector<1x4096xf32> to vector<1x512xf32>
    %gt3A_410 = vector.broadcast %slice3A_409 : vector<1x512xf32> to vector<512x512xf32>
    %gt3A_411 = vector.broadcast %slice3A_320 : vector<512x1xf32> to vector<512x512xf32>
    %gt3A_412 = arith.cmpf ogt, %gt3A_410, %gt3A_411 : vector<512x512xf32>
    %jit3A_413 = arith.constant 1.000000e+00 : f32
    %jit3A_414 = arith.constant 0.000000e+00 : f32
    %broadcast_in_dim3A_415 = vector.broadcast %jit3A_413 : f32 to vector<512x512xf32>
    %broadcast_in_dim3A_416 = vector.broadcast %jit3A_414 : f32 to vector<512x512xf32>
    %select_n3A_417 = arith.select %gt3A_412, %broadcast_in_dim3A_415, %broadcast_in_dim3A_416 : vector<512x512xi1>, vector<512x512xf32>
    %reduce_sum3A_418 = arith.constant dense<0.000000e+00> : vector<512xf32>
    %reduce_sum3A_419 = vector.multi_reduction <add>, %select_n3A_417, %reduce_sum3A_418 [0] : vector<512x512xf32> to vector<512xf32>
    %broadcast_in_dim3A_420 = vector.shape_cast %reduce_sum3A_419 : vector<512xf32> to vector<1x512xf32>
    %sub3A_421 = arith.constant 5.120000e+02 : f32
    %sub3A_422 = vector.broadcast %sub3A_421 : f32 to vector<1x512xf32>
    %sub3A_423 = arith.subf %sub3A_422, %broadcast_in_dim3A_420 : vector<1x512xf32>
    %add3A_424 = arith.addf %add3A_295, %sub3A_423 : vector<1x512xf32>
    %reduce_sum3A_425 = arith.constant dense<0.000000e+00> : vector<512xf32>
    %reduce_sum3A_426 = vector.multi_reduction <add>, %select_n3A_417, %reduce_sum3A_425 [1] : vector<512x512xf32> to vector<512xf32>
    %broadcast_in_dim3A_427 = vector.shape_cast %reduce_sum3A_426 : vector<512xf32> to vector<512x1xf32>
    %add3A_428 = arith.addf %add3A_408, %broadcast_in_dim3A_427 : vector<512x1xf32>
    %slice3A_429 = vector.extract_strided_slice %mul3A_19 {offsets = [0, 3584], sizes = [1, 512], strides = [1, 1]} : vector<1x4096xf32> to vector<1x512xf32>
    %gt3A_430 = vector.broadcast %slice3A_429 : vector<1x512xf32> to vector<512x512xf32>
    %gt3A_431 = vector.broadcast %slice3A_320 : vector<512x1xf32> to vector<512x512xf32>
    %gt3A_432 = arith.cmpf ogt, %gt3A_430, %gt3A_431 : vector<512x512xf32>
    %jit3A_433 = arith.constant 1.000000e+00 : f32
    %jit3A_434 = arith.constant 0.000000e+00 : f32
    %broadcast_in_dim3A_435 = vector.broadcast %jit3A_433 : f32 to vector<512x512xf32>
    %broadcast_in_dim3A_436 = vector.broadcast %jit3A_434 : f32 to vector<512x512xf32>
    %select_n3A_437 = arith.select %gt3A_432, %broadcast_in_dim3A_435, %broadcast_in_dim3A_436 : vector<512x512xi1>, vector<512x512xf32>
    %reduce_sum3A_438 = arith.constant dense<0.000000e+00> : vector<512xf32>
    %reduce_sum3A_439 = vector.multi_reduction <add>, %select_n3A_437, %reduce_sum3A_438 [0] : vector<512x512xf32> to vector<512xf32>
    %broadcast_in_dim3A_440 = vector.shape_cast %reduce_sum3A_439 : vector<512xf32> to vector<1x512xf32>
    %sub3A_441 = arith.constant 5.120000e+02 : f32
    %sub3A_442 = vector.broadcast %sub3A_441 : f32 to vector<1x512xf32>
    %sub3A_443 = arith.subf %sub3A_442, %broadcast_in_dim3A_440 : vector<1x512xf32>
    %add3A_444 = arith.addf %add3A_315, %sub3A_443 : vector<1x512xf32>
    %reduce_sum3A_445 = arith.constant dense<0.000000e+00> : vector<512xf32>
    %reduce_sum3A_446 = vector.multi_reduction <add>, %select_n3A_437, %reduce_sum3A_445 [1] : vector<512x512xf32> to vector<512xf32>
    %broadcast_in_dim3A_447 = vector.shape_cast %reduce_sum3A_446 : vector<512xf32> to vector<512x1xf32>
    %add3A_448 = arith.addf %add3A_428, %broadcast_in_dim3A_447 : vector<512x1xf32>
    %slice3A_449 = vector.extract_strided_slice %reshape3A {offsets = [1536, 0], sizes = [512, 1], strides = [1, 1]} : vector<4096x1xf32> to vector<512x1xf32>
    %iota3A_450 = tpu.iota {dimensions = array<i32: 0>} : vector<512x1xi32>
    %add3A_451 = arith.constant 1536 : i32
    %add3A_452 = vector.broadcast %add3A_451 : i32 to vector<512x1xi32>
    %add3A_453 = arith.addi %iota3A_450, %add3A_452 : vector<512x1xi32>
    %slice3A_454 = vector.extract_strided_slice %mul3A_19 {offsets = [0, 1536], sizes = [1, 512], strides = [1, 1]} : vector<1x4096xf32> to vector<1x512xf32>
    %iota3A_455 = tpu.iota {dimensions = array<i32: 1>} : vector<1x512xi32>
    %add3A_456 = arith.constant 1536 : i32
    %add3A_457 = vector.broadcast %add3A_456 : i32 to vector<1x512xi32>
    %add3A_458 = arith.addi %iota3A_455, %add3A_457 : vector<1x512xi32>
    %eq3A_459 = vector.broadcast %slice3A_454 : vector<1x512xf32> to vector<512x512xf32>
    %eq3A_460 = vector.broadcast %slice3A_449 : vector<512x1xf32> to vector<512x512xf32>
    %eq3A_461 = arith.cmpf oeq, %eq3A_459, %eq3A_460 : vector<512x512xf32>
    %lt3A_462 = vector.broadcast %add3A_458 : vector<1x512xi32> to vector<512x512xi32>
    %lt3A_463 = vector.broadcast %add3A_453 : vector<512x1xi32> to vector<512x512xi32>
    %lt3A_464 = arith.cmpi slt, %lt3A_462, %lt3A_463 : vector<512x512xi32>
    %and3A_465 = arith.andi %eq3A_461, %lt3A_464 : vector<512x512xi1>
    %gt3A_466 = vector.broadcast %slice3A_454 : vector<1x512xf32> to vector<512x512xf32>
    %gt3A_467 = vector.broadcast %slice3A_449 : vector<512x1xf32> to vector<512x512xf32>
    %gt3A_468 = arith.cmpf ogt, %gt3A_466, %gt3A_467 : vector<512x512xf32>
    %or3A_469 = arith.ori %gt3A_468, %and3A_465 : vector<512x512xi1>
    %jit3A_470 = arith.constant 1.000000e+00 : f32
    %jit3A_471 = arith.constant 0.000000e+00 : f32
    %broadcast_in_dim3A_472 = vector.broadcast %jit3A_470 : f32 to vector<512x512xf32>
    %broadcast_in_dim3A_473 = vector.broadcast %jit3A_471 : f32 to vector<512x512xf32>
    %select_n3A_474 = arith.select %or3A_469, %broadcast_in_dim3A_472, %broadcast_in_dim3A_473 : vector<512x512xi1>, vector<512x512xf32>
    %reduce_sum3A_475 = arith.constant dense<0.000000e+00> : vector<512xf32>
    %reduce_sum3A_476 = vector.multi_reduction <add>, %select_n3A_474, %reduce_sum3A_475 [1] : vector<512x512xf32> to vector<512xf32>
    %broadcast_in_dim3A_477 = vector.shape_cast %reduce_sum3A_476 : vector<512xf32> to vector<512x1xf32>
    %slice3A_478 = vector.extract_strided_slice %mul3A_19 {offsets = [0, 2048], sizes = [1, 512], strides = [1, 1]} : vector<1x4096xf32> to vector<1x512xf32>
    %gt3A_479 = vector.broadcast %slice3A_478 : vector<1x512xf32> to vector<512x512xf32>
    %gt3A_480 = vector.broadcast %slice3A_449 : vector<512x1xf32> to vector<512x512xf32>
    %gt3A_481 = arith.cmpf ogt, %gt3A_479, %gt3A_480 : vector<512x512xf32>
    %jit3A_482 = arith.constant 1.000000e+00 : f32
    %jit3A_483 = arith.constant 0.000000e+00 : f32
    %broadcast_in_dim3A_484 = vector.broadcast %jit3A_482 : f32 to vector<512x512xf32>
    %broadcast_in_dim3A_485 = vector.broadcast %jit3A_483 : f32 to vector<512x512xf32>
    %select_n3A_486 = arith.select %gt3A_481, %broadcast_in_dim3A_484, %broadcast_in_dim3A_485 : vector<512x512xi1>, vector<512x512xf32>
    %reduce_sum3A_487 = arith.constant dense<0.000000e+00> : vector<512xf32>
    %reduce_sum3A_488 = vector.multi_reduction <add>, %select_n3A_486, %reduce_sum3A_487 [0] : vector<512x512xf32> to vector<512xf32>
    %broadcast_in_dim3A_489 = vector.shape_cast %reduce_sum3A_488 : vector<512xf32> to vector<1x512xf32>
    %sub3A_490 = arith.constant 5.120000e+02 : f32
    %sub3A_491 = vector.broadcast %sub3A_490 : f32 to vector<1x512xf32>
    %sub3A_492 = arith.subf %sub3A_491, %broadcast_in_dim3A_489 : vector<1x512xf32>
    %add3A_493 = arith.addf %add3A_384, %sub3A_492 : vector<1x512xf32>
    %reduce_sum3A_494 = arith.constant dense<0.000000e+00> : vector<512xf32>
    %reduce_sum3A_495 = vector.multi_reduction <add>, %select_n3A_486, %reduce_sum3A_494 [1] : vector<512x512xf32> to vector<512xf32>
    %broadcast_in_dim3A_496 = vector.shape_cast %reduce_sum3A_495 : vector<512xf32> to vector<512x1xf32>
    %add3A_497 = arith.addf %broadcast_in_dim3A_477, %broadcast_in_dim3A_496 : vector<512x1xf32>
    %slice3A_498 = vector.extract_strided_slice %mul3A_19 {offsets = [0, 2560], sizes = [1, 512], strides = [1, 1]} : vector<1x4096xf32> to vector<1x512xf32>
    %gt3A_499 = vector.broadcast %slice3A_498 : vector<1x512xf32> to vector<512x512xf32>
    %gt3A_500 = vector.broadcast %slice3A_449 : vector<512x1xf32> to vector<512x512xf32>
    %gt3A_501 = arith.cmpf ogt, %gt3A_499, %gt3A_500 : vector<512x512xf32>
    %jit3A_502 = arith.constant 1.000000e+00 : f32
    %jit3A_503 = arith.constant 0.000000e+00 : f32
    %broadcast_in_dim3A_504 = vector.broadcast %jit3A_502 : f32 to vector<512x512xf32>
    %broadcast_in_dim3A_505 = vector.broadcast %jit3A_503 : f32 to vector<512x512xf32>
    %select_n3A_506 = arith.select %gt3A_501, %broadcast_in_dim3A_504, %broadcast_in_dim3A_505 : vector<512x512xi1>, vector<512x512xf32>
    %reduce_sum3A_507 = arith.constant dense<0.000000e+00> : vector<512xf32>
    %reduce_sum3A_508 = vector.multi_reduction <add>, %select_n3A_506, %reduce_sum3A_507 [0] : vector<512x512xf32> to vector<512xf32>
    %broadcast_in_dim3A_509 = vector.shape_cast %reduce_sum3A_508 : vector<512xf32> to vector<1x512xf32>
    %sub3A_510 = arith.constant 5.120000e+02 : f32
    %sub3A_511 = vector.broadcast %sub3A_510 : f32 to vector<1x512xf32>
    %sub3A_512 = arith.subf %sub3A_511, %broadcast_in_dim3A_509 : vector<1x512xf32>
    %add3A_513 = arith.addf %add3A_404, %sub3A_512 : vector<1x512xf32>
    %reduce_sum3A_514 = arith.constant dense<0.000000e+00> : vector<512xf32>
    %reduce_sum3A_515 = vector.multi_reduction <add>, %select_n3A_506, %reduce_sum3A_514 [1] : vector<512x512xf32> to vector<512xf32>
    %broadcast_in_dim3A_516 = vector.shape_cast %reduce_sum3A_515 : vector<512xf32> to vector<512x1xf32>
    %add3A_517 = arith.addf %add3A_497, %broadcast_in_dim3A_516 : vector<512x1xf32>
    %slice3A_518 = vector.extract_strided_slice %mul3A_19 {offsets = [0, 3072], sizes = [1, 512], strides = [1, 1]} : vector<1x4096xf32> to vector<1x512xf32>
    %gt3A_519 = vector.broadcast %slice3A_518 : vector<1x512xf32> to vector<512x512xf32>
    %gt3A_520 = vector.broadcast %slice3A_449 : vector<512x1xf32> to vector<512x512xf32>
    %gt3A_521 = arith.cmpf ogt, %gt3A_519, %gt3A_520 : vector<512x512xf32>
    %jit3A_522 = arith.constant 1.000000e+00 : f32
    %jit3A_523 = arith.constant 0.000000e+00 : f32
    %broadcast_in_dim3A_524 = vector.broadcast %jit3A_522 : f32 to vector<512x512xf32>
    %broadcast_in_dim3A_525 = vector.broadcast %jit3A_523 : f32 to vector<512x512xf32>
    %select_n3A_526 = arith.select %gt3A_521, %broadcast_in_dim3A_524, %broadcast_in_dim3A_525 : vector<512x512xi1>, vector<512x512xf32>
    %reduce_sum3A_527 = arith.constant dense<0.000000e+00> : vector<512xf32>
    %reduce_sum3A_528 = vector.multi_reduction <add>, %select_n3A_526, %reduce_sum3A_527 [0] : vector<512x512xf32> to vector<512xf32>
    %broadcast_in_dim3A_529 = vector.shape_cast %reduce_sum3A_528 : vector<512xf32> to vector<1x512xf32>
    %sub3A_530 = arith.constant 5.120000e+02 : f32
    %sub3A_531 = vector.broadcast %sub3A_530 : f32 to vector<1x512xf32>
    %sub3A_532 = arith.subf %sub3A_531, %broadcast_in_dim3A_529 : vector<1x512xf32>
    %add3A_533 = arith.addf %add3A_424, %sub3A_532 : vector<1x512xf32>
    %reduce_sum3A_534 = arith.constant dense<0.000000e+00> : vector<512xf32>
    %reduce_sum3A_535 = vector.multi_reduction <add>, %select_n3A_526, %reduce_sum3A_534 [1] : vector<512x512xf32> to vector<512xf32>
    %broadcast_in_dim3A_536 = vector.shape_cast %reduce_sum3A_535 : vector<512xf32> to vector<512x1xf32>
    %add3A_537 = arith.addf %add3A_517, %broadcast_in_dim3A_536 : vector<512x1xf32>
    %slice3A_538 = vector.extract_strided_slice %mul3A_19 {offsets = [0, 3584], sizes = [1, 512], strides = [1, 1]} : vector<1x4096xf32> to vector<1x512xf32>
    %gt3A_539 = vector.broadcast %slice3A_538 : vector<1x512xf32> to vector<512x512xf32>
    %gt3A_540 = vector.broadcast %slice3A_449 : vector<512x1xf32> to vector<512x512xf32>
    %gt3A_541 = arith.cmpf ogt, %gt3A_539, %gt3A_540 : vector<512x512xf32>
    %jit3A_542 = arith.constant 1.000000e+00 : f32
    %jit3A_543 = arith.constant 0.000000e+00 : f32
    %broadcast_in_dim3A_544 = vector.broadcast %jit3A_542 : f32 to vector<512x512xf32>
    %broadcast_in_dim3A_545 = vector.broadcast %jit3A_543 : f32 to vector<512x512xf32>
    %select_n3A_546 = arith.select %gt3A_541, %broadcast_in_dim3A_544, %broadcast_in_dim3A_545 : vector<512x512xi1>, vector<512x512xf32>
    %reduce_sum3A_547 = arith.constant dense<0.000000e+00> : vector<512xf32>
    %reduce_sum3A_548 = vector.multi_reduction <add>, %select_n3A_546, %reduce_sum3A_547 [0] : vector<512x512xf32> to vector<512xf32>
    %broadcast_in_dim3A_549 = vector.shape_cast %reduce_sum3A_548 : vector<512xf32> to vector<1x512xf32>
    %sub3A_550 = arith.constant 5.120000e+02 : f32
    %sub3A_551 = vector.broadcast %sub3A_550 : f32 to vector<1x512xf32>
    %sub3A_552 = arith.subf %sub3A_551, %broadcast_in_dim3A_549 : vector<1x512xf32>
    %add3A_553 = arith.addf %add3A_444, %sub3A_552 : vector<1x512xf32>
    %reduce_sum3A_554 = arith.constant dense<0.000000e+00> : vector<512xf32>
    %reduce_sum3A_555 = vector.multi_reduction <add>, %select_n3A_546, %reduce_sum3A_554 [1] : vector<512x512xf32> to vector<512xf32>
    %broadcast_in_dim3A_556 = vector.shape_cast %reduce_sum3A_555 : vector<512xf32> to vector<512x1xf32>
    %add3A_557 = arith.addf %add3A_537, %broadcast_in_dim3A_556 : vector<512x1xf32>
    %slice3A_558 = vector.extract_strided_slice %reshape3A {offsets = [2048, 0], sizes = [512, 1], strides = [1, 1]} : vector<4096x1xf32> to vector<512x1xf32>
    %iota3A_559 = tpu.iota {dimensions = array<i32: 0>} : vector<512x1xi32>
    %add3A_560 = arith.constant 2048 : i32
    %add3A_561 = vector.broadcast %add3A_560 : i32 to vector<512x1xi32>
    %add3A_562 = arith.addi %iota3A_559, %add3A_561 : vector<512x1xi32>
    %slice3A_563 = vector.extract_strided_slice %mul3A_19 {offsets = [0, 2048], sizes = [1, 512], strides = [1, 1]} : vector<1x4096xf32> to vector<1x512xf32>
    %iota3A_564 = tpu.iota {dimensions = array<i32: 1>} : vector<1x512xi32>
    %add3A_565 = arith.constant 2048 : i32
    %add3A_566 = vector.broadcast %add3A_565 : i32 to vector<1x512xi32>
    %add3A_567 = arith.addi %iota3A_564, %add3A_566 : vector<1x512xi32>
    %eq3A_568 = vector.broadcast %slice3A_563 : vector<1x512xf32> to vector<512x512xf32>
    %eq3A_569 = vector.broadcast %slice3A_558 : vector<512x1xf32> to vector<512x512xf32>
    %eq3A_570 = arith.cmpf oeq, %eq3A_568, %eq3A_569 : vector<512x512xf32>
    %lt3A_571 = vector.broadcast %add3A_567 : vector<1x512xi32> to vector<512x512xi32>
    %lt3A_572 = vector.broadcast %add3A_562 : vector<512x1xi32> to vector<512x512xi32>
    %lt3A_573 = arith.cmpi slt, %lt3A_571, %lt3A_572 : vector<512x512xi32>
    %and3A_574 = arith.andi %eq3A_570, %lt3A_573 : vector<512x512xi1>
    %gt3A_575 = vector.broadcast %slice3A_563 : vector<1x512xf32> to vector<512x512xf32>
    %gt3A_576 = vector.broadcast %slice3A_558 : vector<512x1xf32> to vector<512x512xf32>
    %gt3A_577 = arith.cmpf ogt, %gt3A_575, %gt3A_576 : vector<512x512xf32>
    %or3A_578 = arith.ori %gt3A_577, %and3A_574 : vector<512x512xi1>
    %jit3A_579 = arith.constant 1.000000e+00 : f32
    %jit3A_580 = arith.constant 0.000000e+00 : f32
    %broadcast_in_dim3A_581 = vector.broadcast %jit3A_579 : f32 to vector<512x512xf32>
    %broadcast_in_dim3A_582 = vector.broadcast %jit3A_580 : f32 to vector<512x512xf32>
    %select_n3A_583 = arith.select %or3A_578, %broadcast_in_dim3A_581, %broadcast_in_dim3A_582 : vector<512x512xi1>, vector<512x512xf32>
    %reduce_sum3A_584 = arith.constant dense<0.000000e+00> : vector<512xf32>
    %reduce_sum3A_585 = vector.multi_reduction <add>, %select_n3A_583, %reduce_sum3A_584 [1] : vector<512x512xf32> to vector<512xf32>
    %broadcast_in_dim3A_586 = vector.shape_cast %reduce_sum3A_585 : vector<512xf32> to vector<512x1xf32>
    %slice3A_587 = vector.extract_strided_slice %mul3A_19 {offsets = [0, 2560], sizes = [1, 512], strides = [1, 1]} : vector<1x4096xf32> to vector<1x512xf32>
    %gt3A_588 = vector.broadcast %slice3A_587 : vector<1x512xf32> to vector<512x512xf32>
    %gt3A_589 = vector.broadcast %slice3A_558 : vector<512x1xf32> to vector<512x512xf32>
    %gt3A_590 = arith.cmpf ogt, %gt3A_588, %gt3A_589 : vector<512x512xf32>
    %jit3A_591 = arith.constant 1.000000e+00 : f32
    %jit3A_592 = arith.constant 0.000000e+00 : f32
    %broadcast_in_dim3A_593 = vector.broadcast %jit3A_591 : f32 to vector<512x512xf32>
    %broadcast_in_dim3A_594 = vector.broadcast %jit3A_592 : f32 to vector<512x512xf32>
    %select_n3A_595 = arith.select %gt3A_590, %broadcast_in_dim3A_593, %broadcast_in_dim3A_594 : vector<512x512xi1>, vector<512x512xf32>
    %reduce_sum3A_596 = arith.constant dense<0.000000e+00> : vector<512xf32>
    %reduce_sum3A_597 = vector.multi_reduction <add>, %select_n3A_595, %reduce_sum3A_596 [0] : vector<512x512xf32> to vector<512xf32>
    %broadcast_in_dim3A_598 = vector.shape_cast %reduce_sum3A_597 : vector<512xf32> to vector<1x512xf32>
    %sub3A_599 = arith.constant 5.120000e+02 : f32
    %sub3A_600 = vector.broadcast %sub3A_599 : f32 to vector<1x512xf32>
    %sub3A_601 = arith.subf %sub3A_600, %broadcast_in_dim3A_598 : vector<1x512xf32>
    %add3A_602 = arith.addf %add3A_513, %sub3A_601 : vector<1x512xf32>
    %reduce_sum3A_603 = arith.constant dense<0.000000e+00> : vector<512xf32>
    %reduce_sum3A_604 = vector.multi_reduction <add>, %select_n3A_595, %reduce_sum3A_603 [1] : vector<512x512xf32> to vector<512xf32>
    %broadcast_in_dim3A_605 = vector.shape_cast %reduce_sum3A_604 : vector<512xf32> to vector<512x1xf32>
    %add3A_606 = arith.addf %broadcast_in_dim3A_586, %broadcast_in_dim3A_605 : vector<512x1xf32>
    %slice3A_607 = vector.extract_strided_slice %mul3A_19 {offsets = [0, 3072], sizes = [1, 512], strides = [1, 1]} : vector<1x4096xf32> to vector<1x512xf32>
    %gt3A_608 = vector.broadcast %slice3A_607 : vector<1x512xf32> to vector<512x512xf32>
    %gt3A_609 = vector.broadcast %slice3A_558 : vector<512x1xf32> to vector<512x512xf32>
    %gt3A_610 = arith.cmpf ogt, %gt3A_608, %gt3A_609 : vector<512x512xf32>
    %jit3A_611 = arith.constant 1.000000e+00 : f32
    %jit3A_612 = arith.constant 0.000000e+00 : f32
    %broadcast_in_dim3A_613 = vector.broadcast %jit3A_611 : f32 to vector<512x512xf32>
    %broadcast_in_dim3A_614 = vector.broadcast %jit3A_612 : f32 to vector<512x512xf32>
    %select_n3A_615 = arith.select %gt3A_610, %broadcast_in_dim3A_613, %broadcast_in_dim3A_614 : vector<512x512xi1>, vector<512x512xf32>
    %reduce_sum3A_616 = arith.constant dense<0.000000e+00> : vector<512xf32>
    %reduce_sum3A_617 = vector.multi_reduction <add>, %select_n3A_615, %reduce_sum3A_616 [0] : vector<512x512xf32> to vector<512xf32>
    %broadcast_in_dim3A_618 = vector.shape_cast %reduce_sum3A_617 : vector<512xf32> to vector<1x512xf32>
    %sub3A_619 = arith.constant 5.120000e+02 : f32
    %sub3A_620 = vector.broadcast %sub3A_619 : f32 to vector<1x512xf32>
    %sub3A_621 = arith.subf %sub3A_620, %broadcast_in_dim3A_618 : vector<1x512xf32>
    %add3A_622 = arith.addf %add3A_533, %sub3A_621 : vector<1x512xf32>
    %reduce_sum3A_623 = arith.constant dense<0.000000e+00> : vector<512xf32>
    %reduce_sum3A_624 = vector.multi_reduction <add>, %select_n3A_615, %reduce_sum3A_623 [1] : vector<512x512xf32> to vector<512xf32>
    %broadcast_in_dim3A_625 = vector.shape_cast %reduce_sum3A_624 : vector<512xf32> to vector<512x1xf32>
    %add3A_626 = arith.addf %add3A_606, %broadcast_in_dim3A_625 : vector<512x1xf32>
    %slice3A_627 = vector.extract_strided_slice %mul3A_19 {offsets = [0, 3584], sizes = [1, 512], strides = [1, 1]} : vector<1x4096xf32> to vector<1x512xf32>
    %gt3A_628 = vector.broadcast %slice3A_627 : vector<1x512xf32> to vector<512x512xf32>
    %gt3A_629 = vector.broadcast %slice3A_558 : vector<512x1xf32> to vector<512x512xf32>
    %gt3A_630 = arith.cmpf ogt, %gt3A_628, %gt3A_629 : vector<512x512xf32>
    %jit3A_631 = arith.constant 1.000000e+00 : f32
    %jit3A_632 = arith.constant 0.000000e+00 : f32
    %broadcast_in_dim3A_633 = vector.broadcast %jit3A_631 : f32 to vector<512x512xf32>
    %broadcast_in_dim3A_634 = vector.broadcast %jit3A_632 : f32 to vector<512x512xf32>
    %select_n3A_635 = arith.select %gt3A_630, %broadcast_in_dim3A_633, %broadcast_in_dim3A_634 : vector<512x512xi1>, vector<512x512xf32>
    %reduce_sum3A_636 = arith.constant dense<0.000000e+00> : vector<512xf32>
    %reduce_sum3A_637 = vector.multi_reduction <add>, %select_n3A_635, %reduce_sum3A_636 [0] : vector<512x512xf32> to vector<512xf32>
    %broadcast_in_dim3A_638 = vector.shape_cast %reduce_sum3A_637 : vector<512xf32> to vector<1x512xf32>
    %sub3A_639 = arith.constant 5.120000e+02 : f32
    %sub3A_640 = vector.broadcast %sub3A_639 : f32 to vector<1x512xf32>
    %sub3A_641 = arith.subf %sub3A_640, %broadcast_in_dim3A_638 : vector<1x512xf32>
    %add3A_642 = arith.addf %add3A_553, %sub3A_641 : vector<1x512xf32>
    %reduce_sum3A_643 = arith.constant dense<0.000000e+00> : vector<512xf32>
    %reduce_sum3A_644 = vector.multi_reduction <add>, %select_n3A_635, %reduce_sum3A_643 [1] : vector<512x512xf32> to vector<512xf32>
    %broadcast_in_dim3A_645 = vector.shape_cast %reduce_sum3A_644 : vector<512xf32> to vector<512x1xf32>
    %add3A_646 = arith.addf %add3A_626, %broadcast_in_dim3A_645 : vector<512x1xf32>
    %slice3A_647 = vector.extract_strided_slice %reshape3A {offsets = [2560, 0], sizes = [512, 1], strides = [1, 1]} : vector<4096x1xf32> to vector<512x1xf32>
    %iota3A_648 = tpu.iota {dimensions = array<i32: 0>} : vector<512x1xi32>
    %add3A_649 = arith.constant 2560 : i32
    %add3A_650 = vector.broadcast %add3A_649 : i32 to vector<512x1xi32>
    %add3A_651 = arith.addi %iota3A_648, %add3A_650 : vector<512x1xi32>
    %slice3A_652 = vector.extract_strided_slice %mul3A_19 {offsets = [0, 2560], sizes = [1, 512], strides = [1, 1]} : vector<1x4096xf32> to vector<1x512xf32>
    %iota3A_653 = tpu.iota {dimensions = array<i32: 1>} : vector<1x512xi32>
    %add3A_654 = arith.constant 2560 : i32
    %add3A_655 = vector.broadcast %add3A_654 : i32 to vector<1x512xi32>
    %add3A_656 = arith.addi %iota3A_653, %add3A_655 : vector<1x512xi32>
    %eq3A_657 = vector.broadcast %slice3A_652 : vector<1x512xf32> to vector<512x512xf32>
    %eq3A_658 = vector.broadcast %slice3A_647 : vector<512x1xf32> to vector<512x512xf32>
    %eq3A_659 = arith.cmpf oeq, %eq3A_657, %eq3A_658 : vector<512x512xf32>
    %lt3A_660 = vector.broadcast %add3A_656 : vector<1x512xi32> to vector<512x512xi32>
    %lt3A_661 = vector.broadcast %add3A_651 : vector<512x1xi32> to vector<512x512xi32>
    %lt3A_662 = arith.cmpi slt, %lt3A_660, %lt3A_661 : vector<512x512xi32>
    %and3A_663 = arith.andi %eq3A_659, %lt3A_662 : vector<512x512xi1>
    %gt3A_664 = vector.broadcast %slice3A_652 : vector<1x512xf32> to vector<512x512xf32>
    %gt3A_665 = vector.broadcast %slice3A_647 : vector<512x1xf32> to vector<512x512xf32>
    %gt3A_666 = arith.cmpf ogt, %gt3A_664, %gt3A_665 : vector<512x512xf32>
    %or3A_667 = arith.ori %gt3A_666, %and3A_663 : vector<512x512xi1>
    %jit3A_668 = arith.constant 1.000000e+00 : f32
    %jit3A_669 = arith.constant 0.000000e+00 : f32
    %broadcast_in_dim3A_670 = vector.broadcast %jit3A_668 : f32 to vector<512x512xf32>
    %broadcast_in_dim3A_671 = vector.broadcast %jit3A_669 : f32 to vector<512x512xf32>
    %select_n3A_672 = arith.select %or3A_667, %broadcast_in_dim3A_670, %broadcast_in_dim3A_671 : vector<512x512xi1>, vector<512x512xf32>
    %reduce_sum3A_673 = arith.constant dense<0.000000e+00> : vector<512xf32>
    %reduce_sum3A_674 = vector.multi_reduction <add>, %select_n3A_672, %reduce_sum3A_673 [1] : vector<512x512xf32> to vector<512xf32>
    %broadcast_in_dim3A_675 = vector.shape_cast %reduce_sum3A_674 : vector<512xf32> to vector<512x1xf32>
    %slice3A_676 = vector.extract_strided_slice %mul3A_19 {offsets = [0, 3072], sizes = [1, 512], strides = [1, 1]} : vector<1x4096xf32> to vector<1x512xf32>
    %gt3A_677 = vector.broadcast %slice3A_676 : vector<1x512xf32> to vector<512x512xf32>
    %gt3A_678 = vector.broadcast %slice3A_647 : vector<512x1xf32> to vector<512x512xf32>
    %gt3A_679 = arith.cmpf ogt, %gt3A_677, %gt3A_678 : vector<512x512xf32>
    %jit3A_680 = arith.constant 1.000000e+00 : f32
    %jit3A_681 = arith.constant 0.000000e+00 : f32
    %broadcast_in_dim3A_682 = vector.broadcast %jit3A_680 : f32 to vector<512x512xf32>
    %broadcast_in_dim3A_683 = vector.broadcast %jit3A_681 : f32 to vector<512x512xf32>
    %select_n3A_684 = arith.select %gt3A_679, %broadcast_in_dim3A_682, %broadcast_in_dim3A_683 : vector<512x512xi1>, vector<512x512xf32>
    %reduce_sum3A_685 = arith.constant dense<0.000000e+00> : vector<512xf32>
    %reduce_sum3A_686 = vector.multi_reduction <add>, %select_n3A_684, %reduce_sum3A_685 [0] : vector<512x512xf32> to vector<512xf32>
    %broadcast_in_dim3A_687 = vector.shape_cast %reduce_sum3A_686 : vector<512xf32> to vector<1x512xf32>
    %sub3A_688 = arith.constant 5.120000e+02 : f32
    %sub3A_689 = vector.broadcast %sub3A_688 : f32 to vector<1x512xf32>
    %sub3A_690 = arith.subf %sub3A_689, %broadcast_in_dim3A_687 : vector<1x512xf32>
    %add3A_691 = arith.addf %add3A_622, %sub3A_690 : vector<1x512xf32>
    %reduce_sum3A_692 = arith.constant dense<0.000000e+00> : vector<512xf32>
    %reduce_sum3A_693 = vector.multi_reduction <add>, %select_n3A_684, %reduce_sum3A_692 [1] : vector<512x512xf32> to vector<512xf32>
    %broadcast_in_dim3A_694 = vector.shape_cast %reduce_sum3A_693 : vector<512xf32> to vector<512x1xf32>
    %add3A_695 = arith.addf %broadcast_in_dim3A_675, %broadcast_in_dim3A_694 : vector<512x1xf32>
    %slice3A_696 = vector.extract_strided_slice %mul3A_19 {offsets = [0, 3584], sizes = [1, 512], strides = [1, 1]} : vector<1x4096xf32> to vector<1x512xf32>
    %gt3A_697 = vector.broadcast %slice3A_696 : vector<1x512xf32> to vector<512x512xf32>
    %gt3A_698 = vector.broadcast %slice3A_647 : vector<512x1xf32> to vector<512x512xf32>
    %gt3A_699 = arith.cmpf ogt, %gt3A_697, %gt3A_698 : vector<512x512xf32>
    %jit3A_700 = arith.constant 1.000000e+00 : f32
    %jit3A_701 = arith.constant 0.000000e+00 : f32
    %broadcast_in_dim3A_702 = vector.broadcast %jit3A_700 : f32 to vector<512x512xf32>
    %broadcast_in_dim3A_703 = vector.broadcast %jit3A_701 : f32 to vector<512x512xf32>
    %select_n3A_704 = arith.select %gt3A_699, %broadcast_in_dim3A_702, %broadcast_in_dim3A_703 : vector<512x512xi1>, vector<512x512xf32>
    %reduce_sum3A_705 = arith.constant dense<0.000000e+00> : vector<512xf32>
    %reduce_sum3A_706 = vector.multi_reduction <add>, %select_n3A_704, %reduce_sum3A_705 [0] : vector<512x512xf32> to vector<512xf32>
    %broadcast_in_dim3A_707 = vector.shape_cast %reduce_sum3A_706 : vector<512xf32> to vector<1x512xf32>
    %sub3A_708 = arith.constant 5.120000e+02 : f32
    %sub3A_709 = vector.broadcast %sub3A_708 : f32 to vector<1x512xf32>
    %sub3A_710 = arith.subf %sub3A_709, %broadcast_in_dim3A_707 : vector<1x512xf32>
    %add3A_711 = arith.addf %add3A_642, %sub3A_710 : vector<1x512xf32>
    %reduce_sum3A_712 = arith.constant dense<0.000000e+00> : vector<512xf32>
    %reduce_sum3A_713 = vector.multi_reduction <add>, %select_n3A_704, %reduce_sum3A_712 [1] : vector<512x512xf32> to vector<512xf32>
    %broadcast_in_dim3A_714 = vector.shape_cast %reduce_sum3A_713 : vector<512xf32> to vector<512x1xf32>
    %add3A_715 = arith.addf %add3A_695, %broadcast_in_dim3A_714 : vector<512x1xf32>
    %slice3A_716 = vector.extract_strided_slice %reshape3A {offsets = [3072, 0], sizes = [512, 1], strides = [1, 1]} : vector<4096x1xf32> to vector<512x1xf32>
    %iota3A_717 = tpu.iota {dimensions = array<i32: 0>} : vector<512x1xi32>
    %add3A_718 = arith.constant 3072 : i32
    %add3A_719 = vector.broadcast %add3A_718 : i32 to vector<512x1xi32>
    %add3A_720 = arith.addi %iota3A_717, %add3A_719 : vector<512x1xi32>
    %slice3A_721 = vector.extract_strided_slice %mul3A_19 {offsets = [0, 3072], sizes = [1, 512], strides = [1, 1]} : vector<1x4096xf32> to vector<1x512xf32>
    %iota3A_722 = tpu.iota {dimensions = array<i32: 1>} : vector<1x512xi32>
    %add3A_723 = arith.constant 3072 : i32
    %add3A_724 = vector.broadcast %add3A_723 : i32 to vector<1x512xi32>
    %add3A_725 = arith.addi %iota3A_722, %add3A_724 : vector<1x512xi32>
    %eq3A_726 = vector.broadcast %slice3A_721 : vector<1x512xf32> to vector<512x512xf32>
    %eq3A_727 = vector.broadcast %slice3A_716 : vector<512x1xf32> to vector<512x512xf32>
    %eq3A_728 = arith.cmpf oeq, %eq3A_726, %eq3A_727 : vector<512x512xf32>
    %lt3A_729 = vector.broadcast %add3A_725 : vector<1x512xi32> to vector<512x512xi32>
    %lt3A_730 = vector.broadcast %add3A_720 : vector<512x1xi32> to vector<512x512xi32>
    %lt3A_731 = arith.cmpi slt, %lt3A_729, %lt3A_730 : vector<512x512xi32>
    %and3A_732 = arith.andi %eq3A_728, %lt3A_731 : vector<512x512xi1>
    %gt3A_733 = vector.broadcast %slice3A_721 : vector<1x512xf32> to vector<512x512xf32>
    %gt3A_734 = vector.broadcast %slice3A_716 : vector<512x1xf32> to vector<512x512xf32>
    %gt3A_735 = arith.cmpf ogt, %gt3A_733, %gt3A_734 : vector<512x512xf32>
    %or3A_736 = arith.ori %gt3A_735, %and3A_732 : vector<512x512xi1>
    %jit3A_737 = arith.constant 1.000000e+00 : f32
    %jit3A_738 = arith.constant 0.000000e+00 : f32
    %broadcast_in_dim3A_739 = vector.broadcast %jit3A_737 : f32 to vector<512x512xf32>
    %broadcast_in_dim3A_740 = vector.broadcast %jit3A_738 : f32 to vector<512x512xf32>
    %select_n3A_741 = arith.select %or3A_736, %broadcast_in_dim3A_739, %broadcast_in_dim3A_740 : vector<512x512xi1>, vector<512x512xf32>
    %reduce_sum3A_742 = arith.constant dense<0.000000e+00> : vector<512xf32>
    %reduce_sum3A_743 = vector.multi_reduction <add>, %select_n3A_741, %reduce_sum3A_742 [1] : vector<512x512xf32> to vector<512xf32>
    %broadcast_in_dim3A_744 = vector.shape_cast %reduce_sum3A_743 : vector<512xf32> to vector<512x1xf32>
    %slice3A_745 = vector.extract_strided_slice %mul3A_19 {offsets = [0, 3584], sizes = [1, 512], strides = [1, 1]} : vector<1x4096xf32> to vector<1x512xf32>
    %gt3A_746 = vector.broadcast %slice3A_745 : vector<1x512xf32> to vector<512x512xf32>
    %gt3A_747 = vector.broadcast %slice3A_716 : vector<512x1xf32> to vector<512x512xf32>
    %gt3A_748 = arith.cmpf ogt, %gt3A_746, %gt3A_747 : vector<512x512xf32>
    %jit3A_749 = arith.constant 1.000000e+00 : f32
    %jit3A_750 = arith.constant 0.000000e+00 : f32
    %broadcast_in_dim3A_751 = vector.broadcast %jit3A_749 : f32 to vector<512x512xf32>
    %broadcast_in_dim3A_752 = vector.broadcast %jit3A_750 : f32 to vector<512x512xf32>
    %select_n3A_753 = arith.select %gt3A_748, %broadcast_in_dim3A_751, %broadcast_in_dim3A_752 : vector<512x512xi1>, vector<512x512xf32>
    %reduce_sum3A_754 = arith.constant dense<0.000000e+00> : vector<512xf32>
    %reduce_sum3A_755 = vector.multi_reduction <add>, %select_n3A_753, %reduce_sum3A_754 [0] : vector<512x512xf32> to vector<512xf32>
    %broadcast_in_dim3A_756 = vector.shape_cast %reduce_sum3A_755 : vector<512xf32> to vector<1x512xf32>
    %sub3A_757 = arith.constant 5.120000e+02 : f32
    %sub3A_758 = vector.broadcast %sub3A_757 : f32 to vector<1x512xf32>
    %sub3A_759 = arith.subf %sub3A_758, %broadcast_in_dim3A_756 : vector<1x512xf32>
    %add3A_760 = arith.addf %add3A_711, %sub3A_759 : vector<1x512xf32>
    %reduce_sum3A_761 = arith.constant dense<0.000000e+00> : vector<512xf32>
    %reduce_sum3A_762 = vector.multi_reduction <add>, %select_n3A_753, %reduce_sum3A_761 [1] : vector<512x512xf32> to vector<512xf32>
    %broadcast_in_dim3A_763 = vector.shape_cast %reduce_sum3A_762 : vector<512xf32> to vector<512x1xf32>
    %add3A_764 = arith.addf %broadcast_in_dim3A_744, %broadcast_in_dim3A_763 : vector<512x1xf32>
    %slice3A_765 = vector.extract_strided_slice %reshape3A {offsets = [3584, 0], sizes = [512, 1], strides = [1, 1]} : vector<4096x1xf32> to vector<512x1xf32>
    %iota3A_766 = tpu.iota {dimensions = array<i32: 0>} : vector<512x1xi32>
    %add3A_767 = arith.constant 3584 : i32
    %add3A_768 = vector.broadcast %add3A_767 : i32 to vector<512x1xi32>
    %add3A_769 = arith.addi %iota3A_766, %add3A_768 : vector<512x1xi32>
    %slice3A_770 = vector.extract_strided_slice %mul3A_19 {offsets = [0, 3584], sizes = [1, 512], strides = [1, 1]} : vector<1x4096xf32> to vector<1x512xf32>
    %iota3A_771 = tpu.iota {dimensions = array<i32: 1>} : vector<1x512xi32>
    %add3A_772 = arith.constant 3584 : i32
    %add3A_773 = vector.broadcast %add3A_772 : i32 to vector<1x512xi32>
    %add3A_774 = arith.addi %iota3A_771, %add3A_773 : vector<1x512xi32>
    %eq3A_775 = vector.broadcast %slice3A_770 : vector<1x512xf32> to vector<512x512xf32>
    %eq3A_776 = vector.broadcast %slice3A_765 : vector<512x1xf32> to vector<512x512xf32>
    %eq3A_777 = arith.cmpf oeq, %eq3A_775, %eq3A_776 : vector<512x512xf32>
    %lt3A_778 = vector.broadcast %add3A_774 : vector<1x512xi32> to vector<512x512xi32>
    %lt3A_779 = vector.broadcast %add3A_769 : vector<512x1xi32> to vector<512x512xi32>
    %lt3A_780 = arith.cmpi slt, %lt3A_778, %lt3A_779 : vector<512x512xi32>
    %and3A_781 = arith.andi %eq3A_777, %lt3A_780 : vector<512x512xi1>
    %gt3A_782 = vector.broadcast %slice3A_770 : vector<1x512xf32> to vector<512x512xf32>
    %gt3A_783 = vector.broadcast %slice3A_765 : vector<512x1xf32> to vector<512x512xf32>
    %gt3A_784 = arith.cmpf ogt, %gt3A_782, %gt3A_783 : vector<512x512xf32>
    %or3A_785 = arith.ori %gt3A_784, %and3A_781 : vector<512x512xi1>
    %jit3A_786 = arith.constant 1.000000e+00 : f32
    %jit3A_787 = arith.constant 0.000000e+00 : f32
    %broadcast_in_dim3A_788 = vector.broadcast %jit3A_786 : f32 to vector<512x512xf32>
    %broadcast_in_dim3A_789 = vector.broadcast %jit3A_787 : f32 to vector<512x512xf32>
    %select_n3A_790 = arith.select %or3A_785, %broadcast_in_dim3A_788, %broadcast_in_dim3A_789 : vector<512x512xi1>, vector<512x512xf32>
    %reduce_sum3A_791 = arith.constant dense<0.000000e+00> : vector<512xf32>
    %reduce_sum3A_792 = vector.multi_reduction <add>, %select_n3A_790, %reduce_sum3A_791 [1] : vector<512x512xf32> to vector<512xf32>
    %broadcast_in_dim3A_793 = vector.shape_cast %reduce_sum3A_792 : vector<512xf32> to vector<512x1xf32>
    %broadcast_in_dim3A_794 = arith.constant 0.000000e+00 : f32
    %broadcast_in_dim3A_795 = vector.broadcast %broadcast_in_dim3A_794 : f32 to vector<1x512xf32>
    %concatenate3A = tpu.concatenate %broadcast_in_dim3A_795, %sub3A_52, %add3A_215, %add3A_364, %add3A_493, %add3A_602, %add3A_691, %add3A_760 in 1 : vector<1x512xf32>, vector<1x512xf32>, vector<1x512xf32>, vector<1x512xf32>, vector<1x512xf32>, vector<1x512xf32>, vector<1x512xf32>, vector<1x512xf32> -> vector<1x4096xf32>
    %reshape3A_796 = vector.shape_cast %concatenate3A : vector<1x4096xf32> to vector<4096x1xf32>
    %iota3A_797 = tpu.iota {dimensions = array<i32: 1>} : vector<1x1024xi32>
    %convert_element_type3A = arith.sitofp %iota3A_797 : vector<1x1024xi32> to vector<1x1024xf32>
    %broadcast_in_dim3A_798 = arith.constant 0.000000e+00 : f32
    %broadcast_in_dim3A_799 = vector.broadcast %broadcast_in_dim3A_798 : f32 to vector<1x1024xf32>
    %slice3A_800 = vector.extract_strided_slice %reshape3A_796 {offsets = [0, 0], sizes = [512, 1], strides = [1, 1]} : vector<4096x1xf32> to vector<512x1xf32>
    %add3A_801 = arith.addf %add3A_170, %slice3A_800 : vector<512x1xf32>
    %eq3A_802 = vector.broadcast %add3A_801 : vector<512x1xf32> to vector<512x1024xf32>
    %eq3A_803 = vector.broadcast %convert_element_type3A : vector<1x1024xf32> to vector<512x1024xf32>
    %eq3A_804 = arith.cmpf oeq, %eq3A_802, %eq3A_803 : vector<512x1024xf32>
    %iota3A_805 = tpu.iota {dimensions = array<i32: 0>} : vector<512x1xi32>
    %add3A_806 = arith.constant 0 : i32
    %add3A_807 = vector.broadcast %add3A_806 : i32 to vector<512x1xi32>
    %add3A_808 = arith.addi %iota3A_805, %add3A_807 : vector<512x1xi32>
    %convert_element_type3A_809 = arith.sitofp %add3A_808 : vector<512x1xi32> to vector<512x1xf32>
    %jit3A_810 = arith.constant 0.000000e+00 : f32
    %broadcast_in_dim3A_811 = vector.shape_cast %convert_element_type3A_809 : vector<512x1xf32> to vector<512x1xf32>
    %broadcast_in_dim3A_812 = vector.broadcast %broadcast_in_dim3A_811 : vector<512x1xf32> to vector<512x1024xf32>
    %broadcast_in_dim3A_813 = vector.broadcast %jit3A_810 : f32 to vector<512x1024xf32>
    %select_n3A_814 = arith.select %eq3A_804, %broadcast_in_dim3A_812, %broadcast_in_dim3A_813 : vector<512x1024xi1>, vector<512x1024xf32>
    %reduce_sum3A_815 = arith.constant dense<0.000000e+00> : vector<1024xf32>
    %reduce_sum3A_816 = vector.multi_reduction <add>, %select_n3A_814, %reduce_sum3A_815 [0] : vector<512x1024xf32> to vector<1024xf32>
    %broadcast_in_dim3A_817 = vector.shape_cast %reduce_sum3A_816 : vector<1024xf32> to vector<1x1024xf32>
    %add3A_818 = arith.addf %broadcast_in_dim3A_799, %broadcast_in_dim3A_817 : vector<1x1024xf32>
    %slice3A_819 = vector.extract_strided_slice %reshape3A_796 {offsets = [512, 0], sizes = [512, 1], strides = [1, 1]} : vector<4096x1xf32> to vector<512x1xf32>
    %add3A_820 = arith.addf %add3A_319, %slice3A_819 : vector<512x1xf32>
    %eq3A_821 = vector.broadcast %add3A_820 : vector<512x1xf32> to vector<512x1024xf32>
    %eq3A_822 = vector.broadcast %convert_element_type3A : vector<1x1024xf32> to vector<512x1024xf32>
    %eq3A_823 = arith.cmpf oeq, %eq3A_821, %eq3A_822 : vector<512x1024xf32>
    %iota3A_824 = tpu.iota {dimensions = array<i32: 0>} : vector<512x1xi32>
    %add3A_825 = arith.constant 512 : i32
    %add3A_826 = vector.broadcast %add3A_825 : i32 to vector<512x1xi32>
    %add3A_827 = arith.addi %iota3A_824, %add3A_826 : vector<512x1xi32>
    %convert_element_type3A_828 = arith.sitofp %add3A_827 : vector<512x1xi32> to vector<512x1xf32>
    %jit3A_829 = arith.constant 0.000000e+00 : f32
    %broadcast_in_dim3A_830 = vector.shape_cast %convert_element_type3A_828 : vector<512x1xf32> to vector<512x1xf32>
    %broadcast_in_dim3A_831 = vector.broadcast %broadcast_in_dim3A_830 : vector<512x1xf32> to vector<512x1024xf32>
    %broadcast_in_dim3A_832 = vector.broadcast %jit3A_829 : f32 to vector<512x1024xf32>
    %select_n3A_833 = arith.select %eq3A_823, %broadcast_in_dim3A_831, %broadcast_in_dim3A_832 : vector<512x1024xi1>, vector<512x1024xf32>
    %reduce_sum3A_834 = arith.constant dense<0.000000e+00> : vector<1024xf32>
    %reduce_sum3A_835 = vector.multi_reduction <add>, %select_n3A_833, %reduce_sum3A_834 [0] : vector<512x1024xf32> to vector<1024xf32>
    %broadcast_in_dim3A_836 = vector.shape_cast %reduce_sum3A_835 : vector<1024xf32> to vector<1x1024xf32>
    %add3A_837 = arith.addf %add3A_818, %broadcast_in_dim3A_836 : vector<1x1024xf32>
    %slice3A_838 = vector.extract_strided_slice %reshape3A_796 {offsets = [1024, 0], sizes = [512, 1], strides = [1, 1]} : vector<4096x1xf32> to vector<512x1xf32>
    %add3A_839 = arith.addf %add3A_448, %slice3A_838 : vector<512x1xf32>
    %eq3A_840 = vector.broadcast %add3A_839 : vector<512x1xf32> to vector<512x1024xf32>
    %eq3A_841 = vector.broadcast %convert_element_type3A : vector<1x1024xf32> to vector<512x1024xf32>
    %eq3A_842 = arith.cmpf oeq, %eq3A_840, %eq3A_841 : vector<512x1024xf32>
    %iota3A_843 = tpu.iota {dimensions = array<i32: 0>} : vector<512x1xi32>
    %add3A_844 = arith.constant 1024 : i32
    %add3A_845 = vector.broadcast %add3A_844 : i32 to vector<512x1xi32>
    %add3A_846 = arith.addi %iota3A_843, %add3A_845 : vector<512x1xi32>
    %convert_element_type3A_847 = arith.sitofp %add3A_846 : vector<512x1xi32> to vector<512x1xf32>
    %jit3A_848 = arith.constant 0.000000e+00 : f32
    %broadcast_in_dim3A_849 = vector.shape_cast %convert_element_type3A_847 : vector<512x1xf32> to vector<512x1xf32>
    %broadcast_in_dim3A_850 = vector.broadcast %broadcast_in_dim3A_849 : vector<512x1xf32> to vector<512x1024xf32>
    %broadcast_in_dim3A_851 = vector.broadcast %jit3A_848 : f32 to vector<512x1024xf32>
    %select_n3A_852 = arith.select %eq3A_842, %broadcast_in_dim3A_850, %broadcast_in_dim3A_851 : vector<512x1024xi1>, vector<512x1024xf32>
    %reduce_sum3A_853 = arith.constant dense<0.000000e+00> : vector<1024xf32>
    %reduce_sum3A_854 = vector.multi_reduction <add>, %select_n3A_852, %reduce_sum3A_853 [0] : vector<512x1024xf32> to vector<1024xf32>
    %broadcast_in_dim3A_855 = vector.shape_cast %reduce_sum3A_854 : vector<1024xf32> to vector<1x1024xf32>
    %add3A_856 = arith.addf %add3A_837, %broadcast_in_dim3A_855 : vector<1x1024xf32>
    %slice3A_857 = vector.extract_strided_slice %reshape3A_796 {offsets = [1536, 0], sizes = [512, 1], strides = [1, 1]} : vector<4096x1xf32> to vector<512x1xf32>
    %add3A_858 = arith.addf %add3A_557, %slice3A_857 : vector<512x1xf32>
    %eq3A_859 = vector.broadcast %add3A_858 : vector<512x1xf32> to vector<512x1024xf32>
    %eq3A_860 = vector.broadcast %convert_element_type3A : vector<1x1024xf32> to vector<512x1024xf32>
    %eq3A_861 = arith.cmpf oeq, %eq3A_859, %eq3A_860 : vector<512x1024xf32>
    %iota3A_862 = tpu.iota {dimensions = array<i32: 0>} : vector<512x1xi32>
    %add3A_863 = arith.constant 1536 : i32
    %add3A_864 = vector.broadcast %add3A_863 : i32 to vector<512x1xi32>
    %add3A_865 = arith.addi %iota3A_862, %add3A_864 : vector<512x1xi32>
    %convert_element_type3A_866 = arith.sitofp %add3A_865 : vector<512x1xi32> to vector<512x1xf32>
    %jit3A_867 = arith.constant 0.000000e+00 : f32
    %broadcast_in_dim3A_868 = vector.shape_cast %convert_element_type3A_866 : vector<512x1xf32> to vector<512x1xf32>
    %broadcast_in_dim3A_869 = vector.broadcast %broadcast_in_dim3A_868 : vector<512x1xf32> to vector<512x1024xf32>
    %broadcast_in_dim3A_870 = vector.broadcast %jit3A_867 : f32 to vector<512x1024xf32>
    %select_n3A_871 = arith.select %eq3A_861, %broadcast_in_dim3A_869, %broadcast_in_dim3A_870 : vector<512x1024xi1>, vector<512x1024xf32>
    %reduce_sum3A_872 = arith.constant dense<0.000000e+00> : vector<1024xf32>
    %reduce_sum3A_873 = vector.multi_reduction <add>, %select_n3A_871, %reduce_sum3A_872 [0] : vector<512x1024xf32> to vector<1024xf32>
    %broadcast_in_dim3A_874 = vector.shape_cast %reduce_sum3A_873 : vector<1024xf32> to vector<1x1024xf32>
    %add3A_875 = arith.addf %add3A_856, %broadcast_in_dim3A_874 : vector<1x1024xf32>
    %slice3A_876 = vector.extract_strided_slice %reshape3A_796 {offsets = [2048, 0], sizes = [512, 1], strides = [1, 1]} : vector<4096x1xf32> to vector<512x1xf32>
    %add3A_877 = arith.addf %add3A_646, %slice3A_876 : vector<512x1xf32>
    %eq3A_878 = vector.broadcast %add3A_877 : vector<512x1xf32> to vector<512x1024xf32>
    %eq3A_879 = vector.broadcast %convert_element_type3A : vector<1x1024xf32> to vector<512x1024xf32>
    %eq3A_880 = arith.cmpf oeq, %eq3A_878, %eq3A_879 : vector<512x1024xf32>
    %iota3A_881 = tpu.iota {dimensions = array<i32: 0>} : vector<512x1xi32>
    %add3A_882 = arith.constant 2048 : i32
    %add3A_883 = vector.broadcast %add3A_882 : i32 to vector<512x1xi32>
    %add3A_884 = arith.addi %iota3A_881, %add3A_883 : vector<512x1xi32>
    %convert_element_type3A_885 = arith.sitofp %add3A_884 : vector<512x1xi32> to vector<512x1xf32>
    %jit3A_886 = arith.constant 0.000000e+00 : f32
    %broadcast_in_dim3A_887 = vector.shape_cast %convert_element_type3A_885 : vector<512x1xf32> to vector<512x1xf32>
    %broadcast_in_dim3A_888 = vector.broadcast %broadcast_in_dim3A_887 : vector<512x1xf32> to vector<512x1024xf32>
    %broadcast_in_dim3A_889 = vector.broadcast %jit3A_886 : f32 to vector<512x1024xf32>
    %select_n3A_890 = arith.select %eq3A_880, %broadcast_in_dim3A_888, %broadcast_in_dim3A_889 : vector<512x1024xi1>, vector<512x1024xf32>
    %reduce_sum3A_891 = arith.constant dense<0.000000e+00> : vector<1024xf32>
    %reduce_sum3A_892 = vector.multi_reduction <add>, %select_n3A_890, %reduce_sum3A_891 [0] : vector<512x1024xf32> to vector<1024xf32>
    %broadcast_in_dim3A_893 = vector.shape_cast %reduce_sum3A_892 : vector<1024xf32> to vector<1x1024xf32>
    %add3A_894 = arith.addf %add3A_875, %broadcast_in_dim3A_893 : vector<1x1024xf32>
    %slice3A_895 = vector.extract_strided_slice %reshape3A_796 {offsets = [2560, 0], sizes = [512, 1], strides = [1, 1]} : vector<4096x1xf32> to vector<512x1xf32>
    %add3A_896 = arith.addf %add3A_715, %slice3A_895 : vector<512x1xf32>
    %eq3A_897 = vector.broadcast %add3A_896 : vector<512x1xf32> to vector<512x1024xf32>
    %eq3A_898 = vector.broadcast %convert_element_type3A : vector<1x1024xf32> to vector<512x1024xf32>
    %eq3A_899 = arith.cmpf oeq, %eq3A_897, %eq3A_898 : vector<512x1024xf32>
    %iota3A_900 = tpu.iota {dimensions = array<i32: 0>} : vector<512x1xi32>
    %add3A_901 = arith.constant 2560 : i32
    %add3A_902 = vector.broadcast %add3A_901 : i32 to vector<512x1xi32>
    %add3A_903 = arith.addi %iota3A_900, %add3A_902 : vector<512x1xi32>
    %convert_element_type3A_904 = arith.sitofp %add3A_903 : vector<512x1xi32> to vector<512x1xf32>
    %jit3A_905 = arith.constant 0.000000e+00 : f32
    %broadcast_in_dim3A_906 = vector.shape_cast %convert_element_type3A_904 : vector<512x1xf32> to vector<512x1xf32>
    %broadcast_in_dim3A_907 = vector.broadcast %broadcast_in_dim3A_906 : vector<512x1xf32> to vector<512x1024xf32>
    %broadcast_in_dim3A_908 = vector.broadcast %jit3A_905 : f32 to vector<512x1024xf32>
    %select_n3A_909 = arith.select %eq3A_899, %broadcast_in_dim3A_907, %broadcast_in_dim3A_908 : vector<512x1024xi1>, vector<512x1024xf32>
    %reduce_sum3A_910 = arith.constant dense<0.000000e+00> : vector<1024xf32>
    %reduce_sum3A_911 = vector.multi_reduction <add>, %select_n3A_909, %reduce_sum3A_910 [0] : vector<512x1024xf32> to vector<1024xf32>
    %broadcast_in_dim3A_912 = vector.shape_cast %reduce_sum3A_911 : vector<1024xf32> to vector<1x1024xf32>
    %add3A_913 = arith.addf %add3A_894, %broadcast_in_dim3A_912 : vector<1x1024xf32>
    %slice3A_914 = vector.extract_strided_slice %reshape3A_796 {offsets = [3072, 0], sizes = [512, 1], strides = [1, 1]} : vector<4096x1xf32> to vector<512x1xf32>
    %add3A_915 = arith.addf %add3A_764, %slice3A_914 : vector<512x1xf32>
    %eq3A_916 = vector.broadcast %add3A_915 : vector<512x1xf32> to vector<512x1024xf32>
    %eq3A_917 = vector.broadcast %convert_element_type3A : vector<1x1024xf32> to vector<512x1024xf32>
    %eq3A_918 = arith.cmpf oeq, %eq3A_916, %eq3A_917 : vector<512x1024xf32>
    %iota3A_919 = tpu.iota {dimensions = array<i32: 0>} : vector<512x1xi32>
    %add3A_920 = arith.constant 3072 : i32
    %add3A_921 = vector.broadcast %add3A_920 : i32 to vector<512x1xi32>
    %add3A_922 = arith.addi %iota3A_919, %add3A_921 : vector<512x1xi32>
    %convert_element_type3A_923 = arith.sitofp %add3A_922 : vector<512x1xi32> to vector<512x1xf32>
    %jit3A_924 = arith.constant 0.000000e+00 : f32
    %broadcast_in_dim3A_925 = vector.shape_cast %convert_element_type3A_923 : vector<512x1xf32> to vector<512x1xf32>
    %broadcast_in_dim3A_926 = vector.broadcast %broadcast_in_dim3A_925 : vector<512x1xf32> to vector<512x1024xf32>
    %broadcast_in_dim3A_927 = vector.broadcast %jit3A_924 : f32 to vector<512x1024xf32>
    %select_n3A_928 = arith.select %eq3A_918, %broadcast_in_dim3A_926, %broadcast_in_dim3A_927 : vector<512x1024xi1>, vector<512x1024xf32>
    %reduce_sum3A_929 = arith.constant dense<0.000000e+00> : vector<1024xf32>
    %reduce_sum3A_930 = vector.multi_reduction <add>, %select_n3A_928, %reduce_sum3A_929 [0] : vector<512x1024xf32> to vector<1024xf32>
    %broadcast_in_dim3A_931 = vector.shape_cast %reduce_sum3A_930 : vector<1024xf32> to vector<1x1024xf32>
    %add3A_932 = arith.addf %add3A_913, %broadcast_in_dim3A_931 : vector<1x1024xf32>
    %slice3A_933 = vector.extract_strided_slice %reshape3A_796 {offsets = [3584, 0], sizes = [512, 1], strides = [1, 1]} : vector<4096x1xf32> to vector<512x1xf32>
    %add3A_934 = arith.addf %broadcast_in_dim3A_793, %slice3A_933 : vector<512x1xf32>
    %eq3A_935 = vector.broadcast %add3A_934 : vector<512x1xf32> to vector<512x1024xf32>
    %eq3A_936 = vector.broadcast %convert_element_type3A : vector<1x1024xf32> to vector<512x1024xf32>
    %eq3A_937 = arith.cmpf oeq, %eq3A_935, %eq3A_936 : vector<512x1024xf32>
    %iota3A_938 = tpu.iota {dimensions = array<i32: 0>} : vector<512x1xi32>
    %add3A_939 = arith.constant 3584 : i32
    %add3A_940 = vector.broadcast %add3A_939 : i32 to vector<512x1xi32>
    %add3A_941 = arith.addi %iota3A_938, %add3A_940 : vector<512x1xi32>
    %convert_element_type3A_942 = arith.sitofp %add3A_941 : vector<512x1xi32> to vector<512x1xf32>
    %jit3A_943 = arith.constant 0.000000e+00 : f32
    %broadcast_in_dim3A_944 = vector.shape_cast %convert_element_type3A_942 : vector<512x1xf32> to vector<512x1xf32>
    %broadcast_in_dim3A_945 = vector.broadcast %broadcast_in_dim3A_944 : vector<512x1xf32> to vector<512x1024xf32>
    %broadcast_in_dim3A_946 = vector.broadcast %jit3A_943 : f32 to vector<512x1024xf32>
    %select_n3A_947 = arith.select %eq3A_937, %broadcast_in_dim3A_945, %broadcast_in_dim3A_946 : vector<512x1024xi1>, vector<512x1024xf32>
    %reduce_sum3A_948 = arith.constant dense<0.000000e+00> : vector<1024xf32>
    %reduce_sum3A_949 = vector.multi_reduction <add>, %select_n3A_947, %reduce_sum3A_948 [0] : vector<512x1024xf32> to vector<1024xf32>
    %broadcast_in_dim3A_950 = vector.shape_cast %reduce_sum3A_949 : vector<1024xf32> to vector<1x1024xf32>
    %add3A_951 = arith.addf %add3A_932, %broadcast_in_dim3A_950 : vector<1x1024xf32>
    %convert_element_type3A_952 = arith.fptosi %add3A_951 : vector<1x1024xf32> to vector<1x1024xi32>
    %mul3A_953 = arith.constant 4096 : i32
    %mul3A_954 = arith.muli %arg0, %mul3A_953 : i32
    %add3A_955 = vector.broadcast %mul3A_954 : i32 to vector<1x1024xi32>
    %add3A_956 = arith.addi %convert_element_type3A_952, %add3A_955 : vector<1x1024xi32>
    %swap3A = arith.constant 0 : index
    %swap3A_957 = arith.constant 0 : index
    %swap3A_958 = arith.constant 0 : index
    %swap3A_959 = vector.load %arg2[%swap3A, %swap3A_957, %swap3A_958] : memref<1x1x1024xi32, #tpu.memory_space<vmem>>, vector<1x1x1024xi32>
    %swap3A_960 = vector.shape_cast %swap3A_959 : vector<1x1x1024xi32> to vector<1x1024xi32>
    %swap3A_961 = vector.shape_cast %add3A_956 : vector<1x1024xi32> to vector<1x1x1024xi32>
    tpu.vector_store %arg2[%swap3A, %swap3A_957, %swap3A_958], %swap3A_961 {strides = array<i32>} : memref<1x1x1024xi32, #tpu.memory_space<vmem>>, vector<1x1x1024xi32>,
    return
  }
  func.func @transform_0(%arg0: i32) -> (i32, i32, i32) {
    %c0_i32 = arith.constant 0 : i32
    %c0_i32_0 = arith.constant 0 : i32
    %c0_i32_1 = arith.constant 0 : i32
    return %arg0, %c0_i32, %c0_i32_0 : i32, i32, i32
  }
  func.func @transform_1(%arg0: i32) -> (i32, i32, i32) {
    %c0_i32 = arith.constant 0 : i32
    %c0_i32_0 = arith.constant 0 : i32
    %c0_i32_1 = arith.constant 0 : i32
    return %arg0, %c0_i32, %c0_i32_0 : i32, i32, i32
  }
}

</mosaic_0001>

<sc_bundles>
// kernel: kernel.4.cloned.1.call-start
scs
__scs_entry_jumppad:
0x0: {  	(pc) =	sbr.rel $0x88, $3  }
0x1: {  	(tag) =	ssettag $0x0;
	lr =	simm.s32 $0x1  }
0x2: {  	[smem:$0x3F9F] =	sst lr;
	_ =	strace $0xD0000000  }
0x3: {  	_ = 	snop  }
0x4: {  	_ = 	snop  }
0x5: {  	_ = 	snop  }
0x6: {  	_ = 	snop  }
0x7: {  	_ = 	snop  }
__scs_overlays_trampoline_lowered:
0x8: {  	[smem:$0x3FAE] =	sst s0  }
0x9: {  	[smem:$0x3FAF] =	sst s1  }
0xa: {  	[smem:$0x3FB0] =	sst s2  }
0xb: {  	[smem:$0x3FB1] =	sst s3  }
0xc: {  	[smem:$0x3FB2] =	sst s4  }
0xd: {  	[smem:$0x3FB3] =	sst s5  }
0xe: {  	[smem:$0x3FB4] =	sst s6  }
0xf: {  	[smem:$0x3FB5] =	sst s7  }
0x10: {  	[smem:$0x3FB6] =	sst s8  }
0x11: {  	[smem:$0x3FB7] =	sst s9;
	s0 =	simm.s32 @!p0 $0x0  }
0x12: {  	s1 =	sld [smem:$0x3F9D];
	s0 =	simm.s32 @p0 $0x1  }
0x13: {  	[smem:$0x3FB8] =	sst s0;
	s0 =	simm.s32 @!p1 $0x0  }
0x14: {  	s2 =	sld [smem:$0x3F9C];
	s0 =	simm.s32 @p1 $0x1  }
0x15: {  	[smem:$0x3FB9] =	sst s0;
	s0 =	simm.s32 @!p2 $0x0  }
0x16: {  	s3 =	sld [smem:$0x3FDB];
	s0 =	simm.s32 @p2 $0x1  }
0x17: {  	s4 =	simm.s32 $0x1BF5;
	[smem:$0x3FBB] =	sst s0  }
0x18: {  	s0 =	sld [smem:$0x3F9E];
	_ =	swait.ge [sflag:s4], $0x0  }
0x19: {  	s7 =	sld [smem:$0x3F9F]  }
0x1a: {  	s8 =	sadd.s32 $0xFFFFE003, lr  }
0x1b: {  	s9 =	sadd.s32 $0xFFFFFEF7, lr;
	s5 =	simm.s32 $0xFFFFFFFF;
	p2 =	slt.u32 s8, $0xFFFFF086  }
0x1c: {  	p1 =	slt.u32 s9, $0xF7A;
	s5 =	simm.s32 @!p2 $0x0  }
0x1d: {  	s5 =	simm.s32 @p1 $0x1;
	p0 =	seq.s32 s7, s2  }
0x1e: {  	s7 =	smul.u32 @!p0 $0xF7A, s2;
	p2 =	seq.s32 @!p0 s5, $0x0  }
0x1f: {  	s9 =	smul.u32 $0xF7A, s1;
	s8 =	simm.s32 @!p0 $0x1BF5;
	p2 =	por !p2, p0  }
0x20: {  	[sflag:s8] =	ssyncset.s32 @!p0 $0xFFFFF086;
	s6 =	sadd.s32 @!p0 s3, s7;
	s7 =	simm.s32 @!p0 $0x108  }
0x21: {  	s3 =	sadd.s32 s3, s9;
	s6 =	sadd.s32 @!p0 $0x88, s6;
	s7 =	simm.s32 @p2 $0x1082  }
0x22: {  	[simem:s7], [sflag:s8] =	dma.local @!p0 [hbm:s6], $0xF7A  }
0x23: {  	s9 =	sor.u32 $0xD0000000, s2;
	s6 =	simm.s32 $0x108;
	_ =	swait.ge @!p0 [sflag:s8], $0x0  }
0x24: {  	s3 =	sadd.s32 $0x88, s3;
	s6 =	simm.s32 @!p1 $0x1082;
	[sflag:s4] =	ssyncset.s32 $0xFFFFF086  }
0x25: {  	[simem:s6], [sflag:s4] =	dma.local [hbm:s3], $0xF7A  }
0x26: {  	[smem:$0x3F9F] =	sst s1;
	(tag) =	ssettag s2;
	_ =	strace s9  }
0x27: {  	s1 =	sld [smem:$0x3FAF]  }
0x28: {  	s2 =	sld [smem:$0x3FB0]  }
0x29: {  	s4 =	sld [smem:$0x3FB2]  }
0x2a: {  	p0 =	seq.s32 s5, $0x0;
	s5 =	sld [smem:$0x3FB3]  }
0x2b: {  	s6 =	sld [smem:$0x3FB4]  }
0x2c: {  	s7 =	sld [smem:$0x3FB5]  }
0x2d: {  	s3 =	simm.s32 $0x108;
	s8 =	sld [smem:$0x3FB6]  }
0x2e: {  	s3 =	simm.s32 @!p0 $0x1082;
	s9 =	sld [smem:$0x3FB7]  }
0x2f: {  	lr =	sadd.s32 s0, s3;
	s0 =	sld [smem:$0x3FAE]  }
0x30: {  	s3 =	sld [smem:$0x3FB1]  }
0x31: {  	[smem:$0x3FBA] =	sst s10  }
0x32: {  	s10 =	sld [smem:$0x3FB8];
	_ =	sdelay $0x3  }
0x33: {  	p0 =	seq.s32 s10, $0x1;
	s10 =	sld [smem:$0x3FBA];
	_ =	sdelay $0x3  }
0x34: {  	[smem:$0x3FBA] =	sst s10  }
0x35: {  	s10 =	sld [smem:$0x3FB9];
	_ =	sdelay $0x3  }
0x36: {  	p1 =	seq.s32 s10, $0x1;
	s10 =	sld [smem:$0x3FBA];
	_ =	sdelay $0x3  }
0x37: {  	[smem:$0x3FBA] =	sst s10  }
0x38: {  	s10 =	sld [smem:$0x3FBB]  }
0x39: {  	_ = 	snop;
	(pc) =	sbr.ind lr, $3  }
0x3a: {  	_ = 	snop  }
0x3b: {  	_ = 	snop  }
0x3c: {  	p2 =	seq.s32 s10, $0x1;
	s10 =	sld [smem:$0x3FBA]  }
0x3d: {  	_ =	shalt  }
0x3e: {  	_ =	shalt  }
0x3f: {  	_ =	shalt  }
0x40: {  	_ =	shalt  }
0x41: {  	_ =	shalt  }
0x42: {  	_ =	shalt  }
0x43: {  	_ =	shalt  }
0x44: {  	_ =	shalt  }
0x45: {  	_ =	shalt  }
0x46: {  	_ =	shalt  }
0x47: {  	_ =	shalt  }
0x48: {  	_ =	shalt  }
0x49: {  	_ =	shalt  }
0x4a: {  	_ =	shalt  }
0x4b: {  	_ =	shalt  }
0x4c: {  	_ =	shalt  }
0x4d: {  	_ =	shalt  }
0x4e: {  	_ =	shalt  }
0x4f: {  	_ =	shalt  }
0x50: {  	_ =	shalt  }
0x51: {  	_ =	shalt  }
0x52: {  	_ =	shalt  }
0x53: {  	_ =	shalt  }
0x54: {  	_ =	shalt  }
0x55: {  	_ =	shalt  }
0x56: {  	_ =	shalt  }
0x57: {  	_ =	shalt  }
0x58: {  	_ =	shalt  }
0x59: {  	_ =	shalt  }
0x5a: {  	_ =	shalt  }
0x5b: {  	_ =	shalt  }
0x5c: {  	_ =	shalt  }
0x5d: {  	_ =	shalt  }
0x5e: {  	_ =	shalt  }
0x5f: {  	_ =	shalt  }
0x60: {  	_ =	shalt  }
0x61: {  	_ =	shalt  }
0x62: {  	_ =	shalt  }
0x63: {  	_ =	shalt  }
0x64: {  	_ =	shalt  }
0x65: {  	_ =	shalt  }
0x66: {  	_ =	shalt  }
0x67: {  	_ =	shalt  }
0x68: {  	_ =	shalt  }
0x69: {  	_ =	shalt  }
0x6a: {  	_ =	shalt  }
0x6b: {  	_ =	shalt  }
0x6c: {  	_ =	shalt  }
0x6d: {  	_ =	shalt  }
0x6e: {  	_ =	shalt  }
0x6f: {  	_ =	shalt  }
0x70: {  	_ =	shalt  }
0x71: {  	_ =	shalt  }
0x72: {  	_ =	shalt  }
0x73: {  	_ =	shalt  }
0x74: {  	_ =	shalt  }
0x75: {  	_ =	shalt  }
0x76: {  	_ =	shalt  }
0x77: {  	_ =	shalt  }
0x78: {  	_ =	shalt  }
0x79: {  	_ =	shalt  }
0x7a: {  	_ =	shalt  }
0x7b: {  	_ =	shalt  }
0x7c: {  	_ =	shalt  }
0x7d: {  	_ =	shalt  }
0x7e: {  	_ =	shalt  }
0x7f: {  	_ =	shalt  }
0x80: {  	_ =	shalt  }
0x81: {  	_ =	shalt  }
0x82: {  	_ =	shalt  }
0x83: {  	_ =	shalt  }
0x84: {  	_ =	shalt  }
0x85: {  	_ =	shalt  }
0x86: {  	_ =	shalt  }
0x87: {  	_ =	shalt  }
.Lfunc_end0:
.L_simem_size_0:
called_computation_lowered:
.L_overlay_start_0:
0x88: {  	s2 =	sld [smem:$0x3FD9]  }
0x89: {  	s3 =	sld [smem:$0x3FFE];
	_ =	sdelay $0x1  }
0x8a: {  	s1 =	srdreg.scid  }
0x8b: {  	s0 =	sand.u32 $0x1, s1  }
0x8c: {  	s17 =	sshll.u32 s0, $0xA;
	s2 =	sadd.s32 s3, s2  }
0x8d: {  	s2 =	sadd.s32 s2, s17  }
0x8e: {  	[smem:$0x3FC6] =	sst s2  }
0x8f: {  	_ = 	snop  }
0x90: {  	s2 =	sld [smem:$0x3FC9]  }
0x91: {  	s18 =	sld [smem:$0x3FD0];
	(tm) =	ssettm $0x1  }
0x92: {  	s4 =	sld [smem:$0x3FFB];
	_ =	sdelay $0x3  }
0x93: {  	_ =	strace s4  }
0x94: {  	s4 =	sld [smem:$0x3FFC];
	_ =	sdelay $0x3  }
0x95: {  	_ =	strace s4  }
0x96: {  	s4 =	sld [smem:$0x3FFD];
	_ =	sdelay $0x3  }
0x97: {  	_ =	strace s4  }
0x98: {  	_ =	strace $0x8FFFFFFF  }
0x99: {  	s19 =	sld [smem:$0x3FDB];
	_ =	sdelay $0x1  }
0x9a: {  	s5 =	simm.s32 $_scs_section_size  }
0x9b: {  	s6 =	simm.s32 $_size__tile_overlayer_lowered;
	s7 =	simm.s32 $_tile_overlayer_lowered  }
0x9c: {  	s22 =	simm.s32 $0x1BFF;
	s21 =	sshll.u32 s7, $0x1;
	s4 =	sadd.s32 s5, s19  }
0x9d: {  	s8 =	simm.s32 $0x0;
	s20 =	sshll.u32 s6, $0x1;
	s6 =	sadd.s32 s21, s4  }
0x9e: {  	[timem:s8], [sflag:s22] =	dma.local [hbm:s6], s20  }
0x9f: {  	_ =	swait.ge [sflag:s22], s20  }
0xa0: {  	s5 =	ssub.s32 $0x0, s20;
	[sflag:s22] =	ssyncset.done $0x0  }
0xa1: {  	[sflag:s22] =	ssyncadd.s32 s5;
	_ =	sdelay $0x1  }
0xa2: {  	s23 =	simm.s32 $0x1B8B  }
0xa3: {  	_ =	swait.ge [sflag:s23], $0x1  }
0xa4: {  	[sflag:s23] =	ssyncset.done $0x0  }
0xa5: {  	s25 =	simm.s32 $0x1B8E;
	s24 =	sld [smem:$0x3FFE];
	[sflag:s23] =	ssyncadd.s32 $0xFFFFFFFF  }
0xa6: {  	s26 =	simm.s32 $execute0_lowered;
	[smem:$0x3FD2] =	sst s25  }
0xa7: {  	s6 =	sshll.u32 s26, $0x1;
	_ =	strace $0x80000046;
	[dreg:$0x1] =	wrdreg $0xFFFFFFFF  }
0xa8: {  	s28 =	simm.s32 $_size_execute0_lowered;
	s4 =	sadd.s32 s4, s6;
	[dreg:$0x0] =	wrdreg $0x0  }
0xa9: {  	s6 =	sshll.u32 s28, $0x1;
	[dreg:$0x2] =	wrdreg s4  }
0xaa: {  	[dreg:$0x3] =	wrdreg s6  }
0xab: {  	[dreg:$0x4] =	wrdreg $0xC0  }
0xac: {  	_ =	task [dreg:s8], $0x5FFFF  }
0xad: {  	[dreg:$0x1] =	wrdreg $0xFFFFFFFF  }
0xae: {  	[dreg:$0x0] =	wrdreg $0x60  }
0xaf: {  	[dreg:$0x2] =	wrdreg s2  }
0xb0: {  	[dreg:$0x3] =	wrdreg s24  }
0xb1: {  	[dreg:$0x4] =	wrdreg s18  }
0xb2: {  	[dreg:$0x5] =	wrdreg $0x9  }
0xb3: {  	_ =	task.clear_ibuf [dreg:s8], $0x6FFFF;
	_ =	strace $0x90000046  }
0xb4: {  	s29 =	simm.s32 $0x9;
	_ =	strace $0x80000048  }
0xb5: {  	_ =	swait.ge [sflag:s29], $0x1  }
0xb6: {  	[sflag:s29] =	ssyncadd.s32 $0xFFFFFFFF  }
0xb7: {  	_ =	strace $0x90000048  }
0xb8: {  	_ =	sfence  }
0xb9: {  	s30 =	sld [smem:$0x0];
	_ =	sdelay $0x2  }
0xba: {  	s31 =	sshll.u32 s1, $0xD;
	s1 =	sshrl.u32 s1, $0x2  }
0xbb: {  	s3 =	sand.u32 $0x4000, s31;
	s1 =	sadd.s32 s1, s30  }
0xbc: {  	s0 =	sor.u32 s3, s0;
	s1 =	sshll.u32 s1, $0x11  }
0xbd: {  	s0 =	sor.u32 s1, s0  }
0xbe: {  	s0 =	sadd.s32 $0x8F2B, s0  }
0xbf: {  	[sflag:s0] =	ssyncadd.remote.s32 $0x1  }
0xc0: {  	_ =	sfence.sel $0xFFFF  }
0xc1: {  	[dreg:$0x0] =	wrdreg $0xFFFFFFFF;
	(pc) =	sbr.abs _section_cstart, $3  }
0xc2: {  	[dreg:$0x1] =	wrdreg $0xFFFFFFFF  }
0xc3: {  	_ =	task.clear_ibuf [dreg:s8], $0x2FFFF;
	_ =	strace $0x9FFFFFFF  }
0xc4: {  	(tm) =	ssettm $0x7FFFFFFF  }
0xc5: {  	_ =	shalt  }
tec
execute0_lowered:
.L_overlay_start_1:
0x0: {  	(tag) =	ssettag $0x1  }
0x1: {  	s1 =	rddreg [dreg:$0x0]  }
0x2: {  	s0 =	rddreg [dreg:$0x1]  }
0x3: {  	s2 =	rddreg [dreg:$0x2]  }
0x4: {  	s3 =	srdreg.scid;
	s5 =	stileid.u32;
	s15 =	simm.s32 $0x1  }
0x5: {  	s29 =	simm.s32 $0x4;
	s30 =	simm.s32 $0x2;
	s31 =	simm.s32 $0x80  }
0x6: {  	s16 =	simm.s32 $0x11080;
	s17 =	simm.s32 $0x11880;
	s18 =	simm.s32 $0x12080  }
0x7: {  	s19 =	simm.s32 $0x12880;
	s4 =	sand.u32 $0x1, s3;
	s3 =	simm.s32 $0x0  }
0x8: {  	s5 =	sshll.u32 s5, $0x8;
	s7 =	sadd.s32 $0x300, s1;
	s6 =	sshll.u32 s4, $0x7  }
0x9: {  	s8 =	sadd.s32 $0x400, s1;
	s9 =	sadd.s32 $0x500, s1;
	s5 =	sor.u32 s6, s5  }
0xa: {  	s10 =	sadd.s32 $0x600, s1;
	s6 =	sshrl.u32 s5, $0x3;
	s5 =	sshll.u32 s5, $0x8  }
0xb: {  	[smem:$0x7FF] =	sst s3;
	s0 =	sadd.s32 s6, s0;
	s2 =	sadd.s32 s2, s5  }
0xc: {  	_ =	strace $0x80000047;
	s0 =	sadd.s32 $0x800, s0;
	[dreg:$0xc] =	wrdreg s2  }
0xd: {  	s11 =	sadd.s32 $0x700, s1;
	s21 =	sadd.s32 $0x1000, s2;
	[dreg:$0x4] =	wrdreg s0  }
0xe: {  	s4 =	ssub.s32 $0x2, s4;
	s22 =	sadd.s32 $0x2000, s2;
	[dreg:$0x5] =	wrdreg s21  }
0xf: {  	s20 =	sshrl.u32 s4, $0x1;
	s23 =	sadd.s32 $0x3000, s2;
	[dreg:$0x6] =	wrdreg s22  }
0x10: {  	s4 =	ssub.s32 s4, s20;
	s24 =	sadd.s32 $0x4000, s2;
	[dreg:$0x7] =	wrdreg s23  }
0x11: {  	s20 =	simm.s32 $0x13080;
	s25 =	sadd.s32 $0x5000, s2;
	[dreg:$0x8] =	wrdreg s24  }
0x12: {  	s5 =	sadd.s32 $0x100, s1;
	s26 =	sadd.s32 $0x6000, s2;
	[dreg:$0x9] =	wrdreg s25  }
0x13: {  	s6 =	sadd.s32 $0x200, s1;
	s28 =	sadd.s32 $0x7000, s2;
	[dreg:$0xa] =	wrdreg s26  }
0x14: {  	v2 =	vlaneseq.u32;
	s12 =	smax.u32 s4, $0x1;
	[dreg:$0xb] =	wrdreg s28;
	s0 =	simm.s32 $0x5  }
0x15: {  	vm0 =	vmmov $0xffff;
	v1 =	vshrl.u32 v2, $0x3;
	s21 =	simm.s32 $0x13880;
	s22 =	simm.s32 $0x14080;
	s23 =	simm.s32 $0x14880  }
0x16: {  	v0 =	vand.u32 $0x7, v2;
	v2 =	vor.u32 $0x8, v2;
	v1 =	vmul.u32 $0x8, v1;
	s24 =	simm.s32 $0x15080;
	s25 =	simm.s32 $0x15880;
	s26 =	simm.s32 $0x16080  }
.LBB2_1:
0x17: {  	s13 =	rddreg [dreg:$0x4];
	s4 =	simm.s32 $0x7  }
0x18: {  	[tilespmem:s3], [sflag:$0x7] =	stream.linear.gather [hbm4b:s13+s3], $0x80, $0x38;
	[tilespmem:$0x18080] =	vst v63  }
0x19: {  	_ =	swait.ge [sflag:s4], $0x80  }
0x1a: {  	[sflag:s4] =	ssyncset.done $0x0  }
0x1b: {  	[sflag:s4] =	ssyncadd.s32 $0xFFFFFF80  }
0x1c: {  	v3 =	vld [tilespmem:$0x0];
	_ =	sdelay $0x4  }
0x1d: {  	v4 =	vshll.u32 v3, $0x4  }
0x1e: {  	v3 =	vand.u32 $0x7, v3;
	v4 =	vand.u32 $0xFFFFFF80, v4  }
0x1f: {  	v3 =	vor.u32 v3, v4  }
0x20: {  	v4 =	vperm.xlane v3, v0;
	_ =	sdelay $0x1  }
0x21: {  	v4 =	vadd.s32 v1, v4;
	_ =	sdelay $0x4  }
0x22: {  	[tilespmem:s31], [sflag:$0x1] =	stream.indirect_vreg.gather [hbm4b:s1+s3], $0x80, v4, vm0, $0xb8;
	[tilespmem:$0x18080] =	vst v63  }
0x23: {  	s2 =	simm.s32 $0x880  }
0x24: {  	[tilespmem:s2], [sflag:$0x1] =	stream.indirect_vreg.gather [hbm4b:s5+s3], $0x80, v4, vm0, $0xb8;
	[tilespmem:$0x18080] =	vst v63  }
0x25: {  	s13 =	simm.s32 $0x1080  }
0x26: {  	[tilespmem:s13], [sflag:$0x1] =	stream.indirect_vreg.gather [hbm4b:s6+s3], $0x80, v4, vm0, $0xb8;
	[tilespmem:$0x18080] =	vst v63  }
0x27: {  	s14 =	simm.s32 $0x1880  }
0x28: {  	[tilespmem:s14], [sflag:$0x1] =	stream.indirect_vreg.gather [hbm4b:s7+s3], $0x80, v4, vm0, $0xb8;
	[tilespmem:$0x18080] =	vst v63  }
0x29: {  	s28 =	simm.s32 $0x2080  }
0x2a: {  	[tilespmem:s28], [sflag:$0x1] =	stream.indirect_vreg.gather [hbm4b:s8+s3], $0x80, v4, vm0, $0xb8;
	[tilespmem:$0x18080] =	vst v63  }
0x2b: {  	s4 =	simm.s32 $0x2880;
	v3 =	vperm.xlane v3, v2  }
0x2c: {  	[tilespmem:s4], [sflag:$0x1] =	stream.indirect_vreg.gather [hbm4b:s9+s3], $0x80, v4, vm0, $0xb8;
	[tilespmem:$0x18080] =	vst v63  }
0x2d: {  	v3 =	vadd.s32 v1, v3;
	s13 =	simm.s32 $0x3080  }
0x2e: {  	[tilespmem:s13], [sflag:$0x1] =	stream.indirect_vreg.gather [hbm4b:s10+s3], $0x80, v4, vm0, $0xb8;
	[tilespmem:$0x18080] =	vst v63  }
0x2f: {  	s4 =	simm.s32 $0x3880  }
0x30: {  	[tilespmem:s4], [sflag:$0x1] =	stream.indirect_vreg.gather [hbm4b:s11+s3], $0x80, v4, vm0, $0xb8;
	[tilespmem:$0x18080] =	vst v63  }
0x31: {  	s13 =	simm.s32 $0x4080  }
0x32: {  	[tilespmem:s13], [sflag:$0x1] =	stream.indirect_vreg.gather [hbm4b:s1+s3], $0x80, v3, vm0, $0xb8;
	[tilespmem:$0x18080] =	vst v63  }
0x33: {  	s4 =	simm.s32 $0x4880  }
0x34: {  	[tilespmem:s4], [sflag:$0x1] =	stream.indirect_vreg.gather [hbm4b:s5+s3], $0x80, v3, vm0, $0xb8;
	[tilespmem:$0x18080] =	vst v63  }
0x35: {  	s13 =	simm.s32 $0x5080  }
0x36: {  	[tilespmem:s13], [sflag:$0x1] =	stream.indirect_vreg.gather [hbm4b:s6+s3], $0x80, v3, vm0, $0xb8;
	[tilespmem:$0x18080] =	vst v63  }
0x37: {  	s4 =	simm.s32 $0x5880  }
0x38: {  	[tilespmem:s4], [sflag:$0x1] =	stream.indirect_vreg.gather [hbm4b:s7+s3], $0x80, v3, vm0, $0xb8;
	[tilespmem:$0x18080] =	vst v63  }
0x39: {  	s13 =	simm.s32 $0x6080  }
0x3a: {  	[tilespmem:s13], [sflag:$0x1] =	stream.indirect_vreg.gather [hbm4b:s8+s3], $0x80, v3, vm0, $0xb8;
	[tilespmem:$0x18080] =	vst v63  }
0x3b: {  	s4 =	simm.s32 $0x6880  }
0x3c: {  	[tilespmem:s4], [sflag:$0x1] =	stream.indirect_vreg.gather [hbm4b:s9+s3], $0x80, v3, vm0, $0xb8;
	[tilespmem:$0x18080] =	vst v63  }
0x3d: {  	s13 =	simm.s32 $0x7080  }
0x3e: {  	[tilespmem:s13], [sflag:$0x1] =	stream.indirect_vreg.gather [hbm4b:s10+s3], $0x80, v3, vm0, $0xb8;
	[tilespmem:$0x18080] =	vst v63  }
0x3f: {  	s4 =	simm.s32 $0x7880  }
0x40: {  	[tilespmem:s4], [sflag:$0x1] =	stream.indirect_vreg.gather [hbm4b:s11+s3], $0x80, v3, vm0, $0xb8;
	[tilespmem:$0x18080] =	vst v63  }
0x41: {  	v3 =	vld [tilespmem:$0x10];
	_ =	sdelay $0x4  }
0x42: {  	v57 =	vshll.u32 v3, $0x4  }
0x43: {  	v3 =	vand.u32 $0x7, v3;
	v4 =	vand.u32 $0xFFFFFF80, v57  }
0x44: {  	v3 =	vor.u32 v3, v4  }
0x45: {  	v4 =	vperm.xlane v3, v0;
	_ =	sdelay $0x1  }
0x46: {  	v4 =	vadd.s32 v1, v4;
	_ =	sdelay $0x3  }
0x47: {  	s2 =	simm.s32 $0x8080  }
0x48: {  	[tilespmem:s2], [sflag:$0x2] =	stream.indirect_vreg.gather [hbm4b:s1+s3], $0x80, v4, vm0, $0xb8;
	[tilespmem:$0x18080] =	vst v63  }
0x49: {  	s4 =	simm.s32 $0x8880  }
0x4a: {  	[tilespmem:s4], [sflag:$0x2] =	stream.indirect_vreg.gather [hbm4b:s5+s3], $0x80, v4, vm0, $0xb8;
	[tilespmem:$0x18080] =	vst v63  }
0x4b: {  	s13 =	simm.s32 $0x9080  }
0x4c: {  	[tilespmem:s13], [sflag:$0x2] =	stream.indirect_vreg.gather [hbm4b:s6+s3], $0x80, v4, vm0, $0xb8;
	[tilespmem:$0x18080] =	vst v63  }
0x4d: {  	s13 =	simm.s32 $0x9880  }
0x4e: {  	[tilespmem:s13], [sflag:$0x2] =	stream.indirect_vreg.gather [hbm4b:s7+s3], $0x80, v4, vm0, $0xb8;
	[tilespmem:$0x18080] =	vst v63  }
0x4f: {  	s13 =	simm.s32 $0xA080  }
0x50: {  	[tilespmem:s13], [sflag:$0x2] =	stream.indirect_vreg.gather [hbm4b:s8+s3], $0x80, v4, vm0, $0xb8;
	[tilespmem:$0x18080] =	vst v63  }
0x51: {  	v3 =	vperm.xlane v3, v2;
	s13 =	simm.s32 $0xA880  }
0x52: {  	[tilespmem:s13], [sflag:$0x2] =	stream.indirect_vreg.gather [hbm4b:s9+s3], $0x80, v4, vm0, $0xb8;
	[tilespmem:$0x18080] =	vst v63  }
0x53: {  	v3 =	vadd.s32 v1, v3;
	s13 =	simm.s32 $0xB080  }
0x54: {  	[tilespmem:s13], [sflag:$0x2] =	stream.indirect_vreg.gather [hbm4b:s10+s3], $0x80, v4, vm0, $0xb8;
	[tilespmem:$0x18080] =	vst v63  }
0x55: {  	s13 =	simm.s32 $0xB880  }
0x56: {  	[tilespmem:s13], [sflag:$0x2] =	stream.indirect_vreg.gather [hbm4b:s11+s3], $0x80, v4, vm0, $0xb8;
	[tilespmem:$0x18080] =	vst v63  }
0x57: {  	s13 =	simm.s32 $0xC080  }
0x58: {  	[tilespmem:s13], [sflag:$0x2] =	stream.indirect_vreg.gather [hbm4b:s1+s3], $0x80, v3, vm0, $0xb8;
	[tilespmem:$0x18080] =	vst v63  }
0x59: {  	s13 =	simm.s32 $0xC880  }
0x5a: {  	[tilespmem:s13], [sflag:$0x2] =	stream.indirect_vreg.gather [hbm4b:s5+s3], $0x80, v3, vm0, $0xb8;
	[tilespmem:$0x18080] =	vst v63  }
0x5b: {  	s13 =	simm.s32 $0xD080  }
0x5c: {  	[tilespmem:s13], [sflag:$0x2] =	stream.indirect_vreg.gather [hbm4b:s6+s3], $0x80, v3, vm0, $0xb8;
	[tilespmem:$0x18080] =	vst v63  }
0x5d: {  	s13 =	simm.s32 $0xD880  }
0x5e: {  	[tilespmem:s13], [sflag:$0x2] =	stream.indirect_vreg.gather [hbm4b:s7+s3], $0x80, v3, vm0, $0xb8;
	[tilespmem:$0x18080] =	vst v63  }
0x5f: {  	s13 =	simm.s32 $0xE080  }
0x60: {  	[tilespmem:s13], [sflag:$0x2] =	stream.indirect_vreg.gather [hbm4b:s8+s3], $0x80, v3, vm0, $0xb8;
	[tilespmem:$0x18080] =	vst v63  }
0x61: {  	s13 =	simm.s32 $0xE880  }
0x62: {  	[tilespmem:s13], [sflag:$0x2] =	stream.indirect_vreg.gather [hbm4b:s9+s3], $0x80, v3, vm0, $0xb8;
	[tilespmem:$0x18080] =	vst v63  }
0x63: {  	s13 =	simm.s32 $0xF080  }
0x64: {  	[tilespmem:s13], [sflag:$0x2] =	stream.indirect_vreg.gather [hbm4b:s10+s3], $0x80, v3, vm0, $0xb8;
	[tilespmem:$0x18080] =	vst v63  }
0x65: {  	s13 =	simm.s32 $0xF880  }
0x66: {  	[tilespmem:s13], [sflag:$0x2] =	stream.indirect_vreg.gather [hbm4b:s11+s3], $0x80, v3, vm0, $0xb8;
	[tilespmem:$0x18080] =	vst v63  }
0x67: {  	v3 =	vld [tilespmem:$0x20];
	_ =	sdelay $0x4  }
0x68: {  	v58 =	vshll.u32 v3, $0x4  }
0x69: {  	v3 =	vand.u32 $0x7, v3;
	v4 =	vand.u32 $0xFFFFFF80, v58  }
0x6a: {  	v3 =	vor.u32 v3, v4  }
0x6b: {  	v4 =	vperm.xlane v3, v0;
	_ =	sdelay $0x1  }
0x6c: {  	v4 =	vadd.s32 v1, v4;
	_ =	sdelay $0x3  }
0x6d: {  	s13 =	simm.s32 $0x10080  }
0x6e: {  	[tilespmem:s13], [sflag:$0x3] =	stream.indirect_vreg.gather [hbm4b:s1+s3], $0x80, v4, vm0, $0xb8;
	[tilespmem:$0x18080] =	vst v63  }
0x6f: {  	s13 =	simm.s32 $0x10880  }
0x70: {  	[tilespmem:s13], [sflag:$0x3] =	stream.indirect_vreg.gather [hbm4b:s5+s3], $0x80, v4, vm0, $0xb8;
	[tilespmem:$0x18080] =	vst v63  }
0x71: {  	_ = 	snop  }
0x72: {  	[tilespmem:s16], [sflag:$0x3] =	stream.indirect_vreg.gather [hbm4b:s6+s3], $0x80, v4, vm0, $0xb8;
	[tilespmem:$0x18080] =	vst v63  }
0x73: {  	_ = 	snop  }
0x74: {  	[tilespmem:s17], [sflag:$0x3] =	stream.indirect_vreg.gather [hbm4b:s7+s3], $0x80, v4, vm0, $0xb8;
	[tilespmem:$0x18080] =	vst v63  }
0x75: {  	_ = 	snop  }
0x76: {  	[tilespmem:s18], [sflag:$0x3] =	stream.indirect_vreg.gather [hbm4b:s8+s3], $0x80, v4, vm0, $0xb8;
	[tilespmem:$0x18080] =	vst v63  }
0x77: {  	v3 =	vperm.xlane v3, v2  }
0x78: {  	[tilespmem:s19], [sflag:$0x3] =	stream.indirect_vreg.gather [hbm4b:s9+s3], $0x80, v4, vm0, $0xb8;
	[tilespmem:$0x18080] =	vst v63  }
0x79: {  	v3 =	vadd.s32 v1, v3  }
0x7a: {  	[tilespmem:s20], [sflag:$0x3] =	stream.indirect_vreg.gather [hbm4b:s10+s3], $0x80, v4, vm0, $0xb8;
	[tilespmem:$0x18080] =	vst v63  }
0x7b: {  	_ = 	snop  }
0x7c: {  	[tilespmem:s21], [sflag:$0x3] =	stream.indirect_vreg.gather [hbm4b:s11+s3], $0x80, v4, vm0, $0xb8;
	[tilespmem:$0x18080] =	vst v63  }
0x7d: {  	_ = 	snop  }
0x7e: {  	[tilespmem:s22], [sflag:$0x3] =	stream.indirect_vreg.gather [hbm4b:s1+s3], $0x80, v3, vm0, $0xb8;
	[tilespmem:$0x18080] =	vst v63  }
0x7f: {  	_ = 	snop  }
0x80: {  	[tilespmem:s23], [sflag:$0x3] =	stream.indirect_vreg.gather [hbm4b:s5+s3], $0x80, v3, vm0, $0xb8;
	[tilespmem:$0x18080] =	vst v63  }
0x81: {  	_ = 	snop  }
0x82: {  	[tilespmem:s24], [sflag:$0x3] =	stream.indirect_vreg.gather [hbm4b:s6+s3], $0x80, v3, vm0, $0xb8;
	[tilespmem:$0x18080] =	vst v63  }
0x83: {  	_ = 	snop  }
0x84: {  	[tilespmem:s25], [sflag:$0x3] =	stream.indirect_vreg.gather [hbm4b:s7+s3], $0x80, v3, vm0, $0xb8;
	[tilespmem:$0x18080] =	vst v63  }
0x85: {  	_ = 	snop  }
0x86: {  	[tilespmem:s26], [sflag:$0x3] =	stream.indirect_vreg.gather [hbm4b:s8+s3], $0x80, v3, vm0, $0xb8;
	[tilespmem:$0x18080] =	vst v63  }
0x87: {  	s13 =	simm.s32 $0x16880  }
0x88: {  	[tilespmem:s13], [sflag:$0x3] =	stream.indirect_vreg.gather [hbm4b:s9+s3], $0x80, v3, vm0, $0xb8;
	[tilespmem:$0x18080] =	vst v63  }
0x89: {  	s13 =	simm.s32 $0x17080  }
0x8a: {  	[tilespmem:s13], [sflag:$0x3] =	stream.indirect_vreg.gather [hbm4b:s10+s3], $0x80, v3, vm0, $0xb8;
	[tilespmem:$0x18080] =	vst v63  }
0x8b: {  	s13 =	simm.s32 $0x17880  }
0x8c: {  	[tilespmem:s13], [sflag:$0x3] =	stream.indirect_vreg.gather [hbm4b:s11+s3], $0x80, v3, vm0, $0xb8;
	[tilespmem:$0x18080] =	vst v63  }
0x8d: {  	_ =	swait.ge [sflag:s15], $0x8000  }
0x8e: {  	[sflag:s15] =	ssyncset.done $0x0  }
0x8f: {  	s4 =	rddreg [dreg:$0xc];
	[sflag:s15] =	ssyncadd.s32 $0xFFFF8000  }
0x90: {  	[hbm4b:s4+s3] =	stream.linear.scatter [tilespmem:s31], [sflag:$0x4], $0x8000, $0x38;
	[tilespmem:$0x18080] =	vst v63  }
0x91: {  	_ =	swait.ge [sflag:s29], $0x8000  }
0x92: {  	[sflag:s29] =	ssyncset.done $0x0  }
0x93: {  	[sflag:s29] =	ssyncadd.s32 $0xFFFF8000  }
0x94: {  	v3 =	vld [tilespmem:$0x30];
	_ =	sdelay $0x4  }
0x95: {  	v59 =	vshll.u32 v3, $0x4  }
0x96: {  	v3 =	vand.u32 $0x7, v3;
	v4 =	vand.u32 $0xFFFFFF80, v59  }
0x97: {  	v3 =	vor.u32 v3, v4  }
0x98: {  	v4 =	vperm.xlane v3, v0;
	_ =	sdelay $0x1  }
0x99: {  	v4 =	vadd.s32 v1, v4;
	_ =	sdelay $0x4  }
0x9a: {  	[tilespmem:s31], [sflag:$0x1] =	stream.indirect_vreg.gather [hbm4b:s1+s3], $0x80, v4, vm0, $0xb8;
	[tilespmem:$0x18080] =	vst v63  }
0x9b: {  	s13 =	simm.s32 $0x880  }
0x9c: {  	[tilespmem:s13], [sflag:$0x1] =	stream.indirect_vreg.gather [hbm4b:s5+s3], $0x80, v4, vm0, $0xb8;
	[tilespmem:$0x18080] =	vst v63  }
0x9d: {  	s13 =	simm.s32 $0x1080  }
0x9e: {  	[tilespmem:s13], [sflag:$0x1] =	stream.indirect_vreg.gather [hbm4b:s6+s3], $0x80, v4, vm0, $0xb8;
	[tilespmem:$0x18080] =	vst v63  }
0x9f: {  	s13 =	simm.s32 $0x1880  }
0xa0: {  	[tilespmem:s13], [sflag:$0x1] =	stream.indirect_vreg.gather [hbm4b:s7+s3], $0x80, v4, vm0, $0xb8;
	[tilespmem:$0x18080] =	vst v63  }
0xa1: {  	s14 =	simm.s32 $0x2080  }
0xa2: {  	[tilespmem:s14], [sflag:$0x1] =	stream.indirect_vreg.gather [hbm4b:s8+s3], $0x80, v4, vm0, $0xb8;
	[tilespmem:$0x18080] =	vst v63  }
0xa3: {  	s28 =	simm.s32 $0x2880;
	v3 =	vperm.xlane v3, v2  }
0xa4: {  	[tilespmem:s28], [sflag:$0x1] =	stream.indirect_vreg.gather [hbm4b:s9+s3], $0x80, v4, vm0, $0xb8;
	[tilespmem:$0x18080] =	vst v63  }
0xa5: {  	v3 =	vadd.s32 v1, v3;
	s28 =	simm.s32 $0x3080  }
0xa6: {  	[tilespmem:s28], [sflag:$0x1] =	stream.indirect_vreg.gather [hbm4b:s10+s3], $0x80, v4, vm0, $0xb8;
	[tilespmem:$0x18080] =	vst v63  }
0xa7: {  	s13 =	simm.s32 $0x3880  }
0xa8: {  	[tilespmem:s13], [sflag:$0x1] =	stream.indirect_vreg.gather [hbm4b:s11+s3], $0x80, v4, vm0, $0xb8;
	[tilespmem:$0x18080] =	vst v63  }
0xa9: {  	s14 =	simm.s32 $0x4080  }
0xaa: {  	[tilespmem:s14], [sflag:$0x1] =	stream.indirect_vreg.gather [hbm4b:s1+s3], $0x80, v3, vm0, $0xb8;
	[tilespmem:$0x18080] =	vst v63  }
0xab: {  	s28 =	simm.s32 $0x4880  }
0xac: {  	[tilespmem:s28], [sflag:$0x1] =	stream.indirect_vreg.gather [hbm4b:s5+s3], $0x80, v3, vm0, $0xb8;
	[tilespmem:$0x18080] =	vst v63  }
0xad: {  	s13 =	simm.s32 $0x5080  }
0xae: {  	[tilespmem:s13], [sflag:$0x1] =	stream.indirect_vreg.gather [hbm4b:s6+s3], $0x80, v3, vm0, $0xb8;
	[tilespmem:$0x18080] =	vst v63  }
0xaf: {  	s14 =	simm.s32 $0x5880  }
0xb0: {  	[tilespmem:s14], [sflag:$0x1] =	stream.indirect_vreg.gather [hbm4b:s7+s3], $0x80, v3, vm0, $0xb8;
	[tilespmem:$0x18080] =	vst v63  }
0xb1: {  	s28 =	simm.s32 $0x6080  }
0xb2: {  	[tilespmem:s28], [sflag:$0x1] =	stream.indirect_vreg.gather [hbm4b:s8+s3], $0x80, v3, vm0, $0xb8;
	[tilespmem:$0x18080] =	vst v63  }
0xb3: {  	s13 =	simm.s32 $0x6880  }
0xb4: {  	[tilespmem:s13], [sflag:$0x1] =	stream.indirect_vreg.gather [hbm4b:s9+s3], $0x80, v3, vm0, $0xb8;
	[tilespmem:$0x18080] =	vst v63  }
0xb5: {  	s14 =	simm.s32 $0x7080  }
0xb6: {  	[tilespmem:s14], [sflag:$0x1] =	stream.indirect_vreg.gather [hbm4b:s10+s3], $0x80, v3, vm0, $0xb8;
	[tilespmem:$0x18080] =	vst v63  }
0xb7: {  	s28 =	simm.s32 $0x7880  }
0xb8: {  	[tilespmem:s28], [sflag:$0x1] =	stream.indirect_vreg.gather [hbm4b:s11+s3], $0x80, v3, vm0, $0xb8;
	[tilespmem:$0x18080] =	vst v63  }
0xb9: {  	_ =	swait.ge [sflag:s30], $0x8000  }
0xba: {  	[sflag:s30] =	ssyncset.done $0x0  }
0xbb: {  	s4 =	rddreg [dreg:$0x5];
	[sflag:s30] =	ssyncadd.s32 $0xFFFF8000  }
0xbc: {  	[hbm4b:s4+s3] =	stream.linear.scatter [tilespmem:s2], [sflag:$0x5], $0x8000, $0x38;
	[tilespmem:$0x18080] =	vst v63  }
0xbd: {  	_ =	swait.ge [sflag:s0], $0x8000  }
0xbe: {  	[sflag:s0] =	ssyncset.done $0x0  }
0xbf: {  	[sflag:s0] =	ssyncadd.s32 $0xFFFF8000  }
0xc0: {  	v3 =	vld [tilespmem:$0x40];
	_ =	sdelay $0x4  }
0xc1: {  	v60 =	vshll.u32 v3, $0x4  }
0xc2: {  	v3 =	vand.u32 $0x7, v3;
	v4 =	vand.u32 $0xFFFFFF80, v60  }
0xc3: {  	v3 =	vor.u32 v3, v4  }
0xc4: {  	v4 =	vperm.xlane v3, v0;
	_ =	sdelay $0x1  }
0xc5: {  	v4 =	vadd.s32 v1, v4;
	_ =	sdelay $0x4  }
0xc6: {  	[tilespmem:s2], [sflag:$0x2] =	stream.indirect_vreg.gather [hbm4b:s1+s3], $0x80, v4, vm0, $0xb8;
	[tilespmem:$0x18080] =	vst v63  }
0xc7: {  	s13 =	simm.s32 $0x8880  }
0xc8: {  	[tilespmem:s13], [sflag:$0x2] =	stream.indirect_vreg.gather [hbm4b:s5+s3], $0x80, v4, vm0, $0xb8;
	[tilespmem:$0x18080] =	vst v63  }
0xc9: {  	s14 =	simm.s32 $0x9080  }
0xca: {  	[tilespmem:s14], [sflag:$0x2] =	stream.indirect_vreg.gather [hbm4b:s6+s3], $0x80, v4, vm0, $0xb8;
	[tilespmem:$0x18080] =	vst v63  }
0xcb: {  	s28 =	simm.s32 $0x9880  }
0xcc: {  	[tilespmem:s28], [sflag:$0x2] =	stream.indirect_vreg.gather [hbm4b:s7+s3], $0x80, v4, vm0, $0xb8;
	[tilespmem:$0x18080] =	vst v63  }
0xcd: {  	s13 =	simm.s32 $0xA080  }
0xce: {  	[tilespmem:s13], [sflag:$0x2] =	stream.indirect_vreg.gather [hbm4b:s8+s3], $0x80, v4, vm0, $0xb8;
	[tilespmem:$0x18080] =	vst v63  }
0xcf: {  	v3 =	vperm.xlane v3, v2;
	s14 =	simm.s32 $0xA880  }
0xd0: {  	[tilespmem:s14], [sflag:$0x2] =	stream.indirect_vreg.gather [hbm4b:s9+s3], $0x80, v4, vm0, $0xb8;
	[tilespmem:$0x18080] =	vst v63  }
0xd1: {  	v3 =	vadd.s32 v1, v3;
	s28 =	simm.s32 $0xB080  }
0xd2: {  	[tilespmem:s28], [sflag:$0x2] =	stream.indirect_vreg.gather [hbm4b:s10+s3], $0x80, v4, vm0, $0xb8;
	[tilespmem:$0x18080] =	vst v63  }
0xd3: {  	s13 =	simm.s32 $0xB880  }
0xd4: {  	[tilespmem:s13], [sflag:$0x2] =	stream.indirect_vreg.gather [hbm4b:s11+s3], $0x80, v4, vm0, $0xb8;
	[tilespmem:$0x18080] =	vst v63  }
0xd5: {  	s14 =	simm.s32 $0xC080  }
0xd6: {  	[tilespmem:s14], [sflag:$0x2] =	stream.indirect_vreg.gather [hbm4b:s1+s3], $0x80, v3, vm0, $0xb8;
	[tilespmem:$0x18080] =	vst v63  }
0xd7: {  	s28 =	simm.s32 $0xC880  }
0xd8: {  	[tilespmem:s28], [sflag:$0x2] =	stream.indirect_vreg.gather [hbm4b:s5+s3], $0x80, v3, vm0, $0xb8;
	[tilespmem:$0x18080] =	vst v63  }
0xd9: {  	s13 =	simm.s32 $0xD080  }
0xda: {  	[tilespmem:s13], [sflag:$0x2] =	stream.indirect_vreg.gather [hbm4b:s6+s3], $0x80, v3, vm0, $0xb8;
	[tilespmem:$0x18080] =	vst v63  }
0xdb: {  	s14 =	simm.s32 $0xD880  }
0xdc: {  	[tilespmem:s14], [sflag:$0x2] =	stream.indirect_vreg.gather [hbm4b:s7+s3], $0x80, v3, vm0, $0xb8;
	[tilespmem:$0x18080] =	vst v63  }
0xdd: {  	s28 =	simm.s32 $0xE080  }
0xde: {  	[tilespmem:s28], [sflag:$0x2] =	stream.indirect_vreg.gather [hbm4b:s8+s3], $0x80, v3, vm0, $0xb8;
	[tilespmem:$0x18080] =	vst v63  }
0xdf: {  	s13 =	simm.s32 $0xE880  }
0xe0: {  	[tilespmem:s13], [sflag:$0x2] =	stream.indirect_vreg.gather [hbm4b:s9+s3], $0x80, v3, vm0, $0xb8;
	[tilespmem:$0x18080] =	vst v63  }
0xe1: {  	s14 =	simm.s32 $0xF080  }
0xe2: {  	[tilespmem:s14], [sflag:$0x2] =	stream.indirect_vreg.gather [hbm4b:s10+s3], $0x80, v3, vm0, $0xb8;
	[tilespmem:$0x18080] =	vst v63  }
0xe3: {  	s28 =	simm.s32 $0xF880  }
0xe4: {  	[tilespmem:s28], [sflag:$0x2] =	stream.indirect_vreg.gather [hbm4b:s11+s3], $0x80, v3, vm0, $0xb8;
	[tilespmem:$0x18080] =	vst v63  }
0xe5: {  	s28 =	simm.s32 $0x3  }
0xe6: {  	_ =	swait.ge [sflag:s28], $0x8000  }
0xe7: {  	[sflag:s28] =	ssyncset.done $0x0  }
0xe8: {  	s14 =	simm.s32 $0x10080;
	s4 =	rddreg [dreg:$0x6];
	[sflag:s28] =	ssyncadd.s32 $0xFFFF8000  }
0xe9: {  	[hbm4b:s4+s3] =	stream.linear.scatter [tilespmem:s14], [sflag:$0x6], $0x8000, $0x38;
	[tilespmem:$0x18080] =	vst v63  }
0xea: {  	s4 =	simm.s32 $0x6  }
0xeb: {  	_ =	swait.ge [sflag:s4], $0x8000  }
0xec: {  	[sflag:s4] =	ssyncset.done $0x0  }
0xed: {  	[sflag:s4] =	ssyncadd.s32 $0xFFFF8000  }
0xee: {  	v3 =	vld [tilespmem:$0x50];
	_ =	sdelay $0x4  }
0xef: {  	v61 =	vshll.u32 v3, $0x4  }
0xf0: {  	v3 =	vand.u32 $0x7, v3;
	v4 =	vand.u32 $0xFFFFFF80, v61  }
0xf1: {  	v3 =	vor.u32 v3, v4  }
0xf2: {  	v4 =	vperm.xlane v3, v0;
	_ =	sdelay $0x1  }
0xf3: {  	v4 =	vadd.s32 v1, v4;
	_ =	sdelay $0x4  }
0xf4: {  	[tilespmem:s14], [sflag:$0x3] =	stream.indirect_vreg.gather [hbm4b:s1+s3], $0x80, v4, vm0, $0xb8;
	[tilespmem:$0x18080] =	vst v63  }
0xf5: {  	s13 =	simm.s32 $0x10880  }
0xf6: {  	[tilespmem:s13], [sflag:$0x3] =	stream.indirect_vreg.gather [hbm4b:s5+s3], $0x80, v4, vm0, $0xb8;
	[tilespmem:$0x18080] =	vst v63  }
0xf7: {  	_ = 	snop  }
0xf8: {  	[tilespmem:s16], [sflag:$0x3] =	stream.indirect_vreg.gather [hbm4b:s6+s3], $0x80, v4, vm0, $0xb8;
	[tilespmem:$0x18080] =	vst v63  }
0xf9: {  	_ = 	snop  }
0xfa: {  	[tilespmem:s17], [sflag:$0x3] =	stream.indirect_vreg.gather [hbm4b:s7+s3], $0x80, v4, vm0, $0xb8;
	[tilespmem:$0x18080] =	vst v63  }
0xfb: {  	_ = 	snop  }
0xfc: {  	[tilespmem:s18], [sflag:$0x3] =	stream.indirect_vreg.gather [hbm4b:s8+s3], $0x80, v4, vm0, $0xb8;
	[tilespmem:$0x18080] =	vst v63  }
0xfd: {  	v3 =	vperm.xlane v3, v2  }
0xfe: {  	[tilespmem:s19], [sflag:$0x3] =	stream.indirect_vreg.gather [hbm4b:s9+s3], $0x80, v4, vm0, $0xb8;
	[tilespmem:$0x18080] =	vst v63  }
0xff: {  	v3 =	vadd.s32 v1, v3  }
0x100: {  	[tilespmem:s20], [sflag:$0x3] =	stream.indirect_vreg.gather [hbm4b:s10+s3], $0x80, v4, vm0, $0xb8;
	[tilespmem:$0x18080] =	vst v63  }
0x101: {  	_ = 	snop  }
0x102: {  	[tilespmem:s21], [sflag:$0x3] =	stream.indirect_vreg.gather [hbm4b:s11+s3], $0x80, v4, vm0, $0xb8;
	[tilespmem:$0x18080] =	vst v63  }
0x103: {  	_ = 	snop  }
0x104: {  	[tilespmem:s22], [sflag:$0x3] =	stream.indirect_vreg.gather [hbm4b:s1+s3], $0x80, v3, vm0, $0xb8;
	[tilespmem:$0x18080] =	vst v63  }
0x105: {  	_ = 	snop  }
0x106: {  	[tilespmem:s23], [sflag:$0x3] =	stream.indirect_vreg.gather [hbm4b:s5+s3], $0x80, v3, vm0, $0xb8;
	[tilespmem:$0x18080] =	vst v63  }
0x107: {  	_ = 	snop  }
0x108: {  	[tilespmem:s24], [sflag:$0x3] =	stream.indirect_vreg.gather [hbm4b:s6+s3], $0x80, v3, vm0, $0xb8;
	[tilespmem:$0x18080] =	vst v63  }
0x109: {  	_ = 	snop  }
0x10a: {  	[tilespmem:s25], [sflag:$0x3] =	stream.indirect_vreg.gather [hbm4b:s7+s3], $0x80, v3, vm0, $0xb8;
	[tilespmem:$0x18080] =	vst v63  }
0x10b: {  	_ = 	snop  }
0x10c: {  	[tilespmem:s26], [sflag:$0x3] =	stream.indirect_vreg.gather [hbm4b:s8+s3], $0x80, v3, vm0, $0xb8;
	[tilespmem:$0x18080] =	vst v63  }
0x10d: {  	s13 =	simm.s32 $0x16880  }
0x10e: {  	[tilespmem:s13], [sflag:$0x3] =	stream.indirect_vreg.gather [hbm4b:s9+s3], $0x80, v3, vm0, $0xb8;
	[tilespmem:$0x18080] =	vst v63  }
0x10f: {  	s13 =	simm.s32 $0x17080  }
0x110: {  	[tilespmem:s13], [sflag:$0x3] =	stream.indirect_vreg.gather [hbm4b:s10+s3], $0x80, v3, vm0, $0xb8;
	[tilespmem:$0x18080] =	vst v63  }
0x111: {  	s13 =	simm.s32 $0x17880  }
0x112: {  	[tilespmem:s13], [sflag:$0x3] =	stream.indirect_vreg.gather [hbm4b:s11+s3], $0x80, v3, vm0, $0xb8;
	[tilespmem:$0x18080] =	vst v63  }
0x113: {  	_ =	swait.ge [sflag:s15], $0x8000  }
0x114: {  	[sflag:s15] =	ssyncset.done $0x0  }
0x115: {  	s13 =	rddreg [dreg:$0x7];
	[sflag:s15] =	ssyncadd.s32 $0xFFFF8000  }
0x116: {  	[hbm4b:s13+s3] =	stream.linear.scatter [tilespmem:s31], [sflag:$0x4], $0x8000, $0x38;
	[tilespmem:$0x18080] =	vst v63  }
0x117: {  	_ =	swait.ge [sflag:s29], $0x8000  }
0x118: {  	[sflag:s29] =	ssyncset.done $0x0  }
0x119: {  	[sflag:s29] =	ssyncadd.s32 $0xFFFF8000  }
0x11a: {  	v3 =	vld [tilespmem:$0x60];
	_ =	sdelay $0x4  }
0x11b: {  	v62 =	vshll.u32 v3, $0x4  }
0x11c: {  	v3 =	vand.u32 $0x7, v3;
	v4 =	vand.u32 $0xFFFFFF80, v62  }
0x11d: {  	v3 =	vor.u32 v3, v4  }
0x11e: {  	v4 =	vperm.xlane v3, v0;
	_ =	sdelay $0x1  }
0x11f: {  	v4 =	vadd.s32 v1, v4;
	_ =	sdelay $0x4  }
0x120: {  	[tilespmem:s31], [sflag:$0x1] =	stream.indirect_vreg.gather [hbm4b:s1+s3], $0x80, v4, vm0, $0xb8;
	[tilespmem:$0x18080] =	vst v63  }
0x121: {  	s13 =	simm.s32 $0x880  }
0x122: {  	[tilespmem:s13], [sflag:$0x1] =	stream.indirect_vreg.gather [hbm4b:s5+s3], $0x80, v4, vm0, $0xb8;
	[tilespmem:$0x18080] =	vst v63  }
0x123: {  	s13 =	simm.s32 $0x1080  }
0x124: {  	[tilespmem:s13], [sflag:$0x1] =	stream.indirect_vreg.gather [hbm4b:s6+s3], $0x80, v4, vm0, $0xb8;
	[tilespmem:$0x18080] =	vst v63  }
0x125: {  	s13 =	simm.s32 $0x1880  }
0x126: {  	[tilespmem:s13], [sflag:$0x1] =	stream.indirect_vreg.gather [hbm4b:s7+s3], $0x80, v4, vm0, $0xb8;
	[tilespmem:$0x18080] =	vst v63  }
0x127: {  	s13 =	simm.s32 $0x2080  }
0x128: {  	[tilespmem:s13], [sflag:$0x1] =	stream.indirect_vreg.gather [hbm4b:s8+s3], $0x80, v4, vm0, $0xb8;
	[tilespmem:$0x18080] =	vst v63  }
0x129: {  	v3 =	vperm.xlane v3, v2;
	s13 =	simm.s32 $0x2880  }
0x12a: {  	[tilespmem:s13], [sflag:$0x1] =	stream.indirect_vreg.gather [hbm4b:s9+s3], $0x80, v4, vm0, $0xb8;
	[tilespmem:$0x18080] =	vst v63  }
0x12b: {  	v3 =	vadd.s32 v1, v3;
	s13 =	simm.s32 $0x3080  }
0x12c: {  	[tilespmem:s13], [sflag:$0x1] =	stream.indirect_vreg.gather [hbm4b:s10+s3], $0x80, v4, vm0, $0xb8;
	[tilespmem:$0x18080] =	vst v63  }
0x12d: {  	s13 =	simm.s32 $0x3880  }
0x12e: {  	[tilespmem:s13], [sflag:$0x1] =	stream.indirect_vreg.gather [hbm4b:s11+s3], $0x80, v4, vm0, $0xb8;
	[tilespmem:$0x18080] =	vst v63  }
0x12f: {  	s13 =	simm.s32 $0x4080  }
0x130: {  	[tilespmem:s13], [sflag:$0x1] =	stream.indirect_vreg.gather [hbm4b:s1+s3], $0x80, v3, vm0, $0xb8;
	[tilespmem:$0x18080] =	vst v63  }
0x131: {  	s13 =	simm.s32 $0x4880  }
0x132: {  	[tilespmem:s13], [sflag:$0x1] =	stream.indirect_vreg.gather [hbm4b:s5+s3], $0x80, v3, vm0, $0xb8;
	[tilespmem:$0x18080] =	vst v63  }
0x133: {  	s13 =	simm.s32 $0x5080  }
0x134: {  	[tilespmem:s13], [sflag:$0x1] =	stream.indirect_vreg.gather [hbm4b:s6+s3], $0x80, v3, vm0, $0xb8;
	[tilespmem:$0x18080] =	vst v63  }
0x135: {  	s13 =	simm.s32 $0x5880  }
0x136: {  	[tilespmem:s13], [sflag:$0x1] =	stream.indirect_vreg.gather [hbm4b:s7+s3], $0x80, v3, vm0, $0xb8;
	[tilespmem:$0x18080] =	vst v63  }
0x137: {  	s13 =	simm.s32 $0x6080  }
0x138: {  	[tilespmem:s13], [sflag:$0x1] =	stream.indirect_vreg.gather [hbm4b:s8+s3], $0x80, v3, vm0, $0xb8;
	[tilespmem:$0x18080] =	vst v63  }
0x139: {  	s13 =	simm.s32 $0x6880  }
0x13a: {  	[tilespmem:s13], [sflag:$0x1] =	stream.indirect_vreg.gather [hbm4b:s9+s3], $0x80, v3, vm0, $0xb8;
	[tilespmem:$0x18080] =	vst v63  }
0x13b: {  	s13 =	simm.s32 $0x7080  }
0x13c: {  	[tilespmem:s13], [sflag:$0x1] =	stream.indirect_vreg.gather [hbm4b:s10+s3], $0x80, v3, vm0, $0xb8;
	[tilespmem:$0x18080] =	vst v63  }
0x13d: {  	s13 =	simm.s32 $0x7880  }
0x13e: {  	[tilespmem:s13], [sflag:$0x1] =	stream.indirect_vreg.gather [hbm4b:s11+s3], $0x80, v3, vm0, $0xb8;
	[tilespmem:$0x18080] =	vst v63  }
0x13f: {  	_ =	swait.ge [sflag:s30], $0x8000  }
0x140: {  	[sflag:s30] =	ssyncset.done $0x0  }
0x141: {  	s13 =	rddreg [dreg:$0x8];
	[sflag:s30] =	ssyncadd.s32 $0xFFFF8000  }
0x142: {  	[hbm4b:s13+s3] =	stream.linear.scatter [tilespmem:s2], [sflag:$0x5], $0x8000, $0x38;
	[tilespmem:$0x18080] =	vst v63  }
0x143: {  	_ =	swait.ge [sflag:s0], $0x8000  }
0x144: {  	[sflag:s0] =	ssyncset.done $0x0  }
0x145: {  	[sflag:s0] =	ssyncadd.s32 $0xFFFF8000  }
0x146: {  	v3 =	vld [tilespmem:$0x70];
	_ =	sdelay $0x4  }
0x147: {  	v63 =	vshll.u32 v3, $0x4  }
0x148: {  	v3 =	vand.u32 $0x7, v3;
	v4 =	vand.u32 $0xFFFFFF80, v63  }
0x149: {  	v3 =	vor.u32 v3, v4  }
0x14a: {  	v4 =	vperm.xlane v3, v0;
	_ =	sdelay $0x1  }
0x14b: {  	v4 =	vadd.s32 v1, v4;
	_ =	sdelay $0x4  }
0x14c: {  	[tilespmem:s2], [sflag:$0x2] =	stream.indirect_vreg.gather [hbm4b:s1+s3], $0x80, v4, vm0, $0xb8;
	[tilespmem:$0x18080] =	vst v63  }
0x14d: {  	s13 =	simm.s32 $0x8880  }
0x14e: {  	[tilespmem:s13], [sflag:$0x2] =	stream.indirect_vreg.gather [hbm4b:s5+s3], $0x80, v4, vm0, $0xb8;
	[tilespmem:$0x18080] =	vst v63  }
0x14f: {  	s13 =	simm.s32 $0x9080  }
0x150: {  	[tilespmem:s13], [sflag:$0x2] =	stream.indirect_vreg.gather [hbm4b:s6+s3], $0x80, v4, vm0, $0xb8;
	[tilespmem:$0x18080] =	vst v63  }
0x151: {  	s13 =	simm.s32 $0x9880  }
0x152: {  	[tilespmem:s13], [sflag:$0x2] =	stream.indirect_vreg.gather [hbm4b:s7+s3], $0x80, v4, vm0, $0xb8;
	[tilespmem:$0x18080] =	vst v63  }
0x153: {  	s13 =	simm.s32 $0xA080  }
0x154: {  	[tilespmem:s13], [sflag:$0x2] =	stream.indirect_vreg.gather [hbm4b:s8+s3], $0x80, v4, vm0, $0xb8;
	[tilespmem:$0x18080] =	vst v63  }
0x155: {  	v3 =	vperm.xlane v3, v2;
	s13 =	simm.s32 $0xA880  }
0x156: {  	[tilespmem:s13], [sflag:$0x2] =	stream.indirect_vreg.gather [hbm4b:s9+s3], $0x80, v4, vm0, $0xb8;
	[tilespmem:$0x18080] =	vst v63  }
0x157: {  	v3 =	vadd.s32 v1, v3;
	s13 =	simm.s32 $0xB080  }
0x158: {  	[tilespmem:s13], [sflag:$0x2] =	stream.indirect_vreg.gather [hbm4b:s10+s3], $0x80, v4, vm0, $0xb8;
	[tilespmem:$0x18080] =	vst v63  }
0x159: {  	s13 =	simm.s32 $0xB880  }
0x15a: {  	[tilespmem:s13], [sflag:$0x2] =	stream.indirect_vreg.gather [hbm4b:s11+s3], $0x80, v4, vm0, $0xb8;
	[tilespmem:$0x18080] =	vst v63  }
0x15b: {  	s13 =	simm.s32 $0xC080  }
0x15c: {  	[tilespmem:s13], [sflag:$0x2] =	stream.indirect_vreg.gather [hbm4b:s1+s3], $0x80, v3, vm0, $0xb8;
	[tilespmem:$0x18080] =	vst v63  }
0x15d: {  	s13 =	simm.s32 $0xC880  }
0x15e: {  	[tilespmem:s13], [sflag:$0x2] =	stream.indirect_vreg.gather [hbm4b:s5+s3], $0x80, v3, vm0, $0xb8;
	[tilespmem:$0x18080] =	vst v63  }
0x15f: {  	s13 =	simm.s32 $0xD080  }
0x160: {  	[tilespmem:s13], [sflag:$0x2] =	stream.indirect_vreg.gather [hbm4b:s6+s3], $0x80, v3, vm0, $0xb8;
	[tilespmem:$0x18080] =	vst v63  }
0x161: {  	s13 =	simm.s32 $0xD880  }
0x162: {  	[tilespmem:s13], [sflag:$0x2] =	stream.indirect_vreg.gather [hbm4b:s7+s3], $0x80, v3, vm0, $0xb8;
	[tilespmem:$0x18080] =	vst v63  }
0x163: {  	s13 =	simm.s32 $0xE080  }
0x164: {  	[tilespmem:s13], [sflag:$0x2] =	stream.indirect_vreg.gather [hbm4b:s8+s3], $0x80, v3, vm0, $0xb8;
	[tilespmem:$0x18080] =	vst v63  }
0x165: {  	s13 =	simm.s32 $0xE880  }
0x166: {  	[tilespmem:s13], [sflag:$0x2] =	stream.indirect_vreg.gather [hbm4b:s9+s3], $0x80, v3, vm0, $0xb8;
	[tilespmem:$0x18080] =	vst v63  }
0x167: {  	s13 =	simm.s32 $0xF080  }
0x168: {  	[tilespmem:s13], [sflag:$0x2] =	stream.indirect_vreg.gather [hbm4b:s10+s3], $0x80, v3, vm0, $0xb8;
	[tilespmem:$0x18080] =	vst v63  }
0x169: {  	s13 =	simm.s32 $0xF880  }
0x16a: {  	[tilespmem:s13], [sflag:$0x2] =	stream.indirect_vreg.gather [hbm4b:s11+s3], $0x80, v3, vm0, $0xb8;
	[tilespmem:$0x18080] =	vst v63  }
0x16b: {  	_ =	swait.ge [sflag:s28], $0x8000  }
0x16c: {  	[sflag:s28] =	ssyncset.done $0x0  }
0x16d: {  	s14 =	simm.s32 $0x10080;
	s13 =	rddreg [dreg:$0x9];
	[sflag:s28] =	ssyncadd.s32 $0xFFFF8000  }
0x16e: {  	[hbm4b:s13+s3] =	stream.linear.scatter [tilespmem:s14], [sflag:$0x6], $0x8000, $0x38;
	[tilespmem:$0x18080] =	vst v63  }
0x16f: {  	_ =	swait.ge [sflag:s15], $0x8000  }
0x170: {  	[sflag:s15] =	ssyncset.done $0x0  }
0x171: {  	s14 =	rddreg [dreg:$0xa];
	[sflag:s15] =	ssyncadd.s32 $0xFFFF8000  }
0x172: {  	[hbm4b:s14+s3] =	stream.linear.scatter [tilespmem:s31], [sflag:$0x4], $0x8000, $0x38;
	[tilespmem:$0x18080] =	vst v63  }
0x173: {  	_ =	swait.ge [sflag:s30], $0x8000  }
0x174: {  	[sflag:s30] =	ssyncset.done $0x0  }
0x175: {  	s28 =	rddreg [dreg:$0xb];
	[sflag:s30] =	ssyncadd.s32 $0xFFFF8000  }
0x176: {  	[hbm4b:s28+s3] =	stream.linear.scatter [tilespmem:s2], [sflag:$0x5], $0x8000, $0x38;
	[tilespmem:$0x18080] =	vst v63  }
0x177: {  	_ =	swait.ge [sflag:s4], $0x8000  }
0x178: {  	[sflag:s4] =	ssyncset.done $0x0  }
0x179: {  	[sflag:s4] =	ssyncadd.s32 $0xFFFF8000  }
0x17a: {  	p0 =	sne.s32 s12, $0x1;
	_ =	swait.ge [sflag:s29], $0x8000  }
.Ltmp0:
0x17b: {  	[sflag:s29] =	ssyncset.done $0x0;
	(pc) =	sbr.rel @p0 .LBB2_1-.Ltmp0, $4  }
0x17c: {  	[sflag:s29] =	ssyncadd.s32 $0xFFFF8000  }
0x17d: {  	_ =	swait.ge [sflag:s0], $0x8000  }
0x17e: {  	[sflag:s0] =	ssyncset.done $0x0  }
0x17f: {  	s12 =	sadd.s32 $0xFFFFFFFF, s12;
	[sflag:s0] =	ssyncadd.s32 $0xFFFF8000  }
0x180: {  	_ =	sfence.sel $0x180000  }
0x181: {  	[bflag:$0x0] =	sbarrier.arrive $0xFFFF  }
0x182: {  	_ =	strace $0x90000047  }
0x183: {  	s0 =	stileid.u32;
	[bflag:$0x2] =	sbarrier.arrive $0xFFFF  }
0x184: {  	p0 =	sne.s32 s0, $0x0;
	s0 =	rddreg [dreg:$0x3]  }
0x185: {  	s0 =	sadd.s32 @!p0 $0x100000, s0  }
0x186: {  	[sflag:s0] =	ssyncadd.tile.s32 @!p0 $0x1;
	_ =	shalt  }
.Lfunc_end2:
_tile_overlayer_lowered:
.L_overlay_start_2:
0x187: {  	(tag) =	ssettag $0x2  }
0x188: {  	s0 =	rddreg [dreg:$0x0];
	s2 =	stileid.u32  }
0x189: {  	s1 =	rddreg [dreg:$0x1];
	p0 =	sne.s32 s2, $0x0  }
0x18a: {  	s3 =	rddreg [dreg:$0x2];
	[bflag:$0x3] =	sbarrier.arrive $0xFFFF;
	s2 =	simm.s32 @!p0 $0x1C07  }
0x18b: {  	[timem:s3], [sflag:s2] =	dma.local @!p0 [hbm:s0], s1  }
0x18c: {  	s0 =	simm.s32 @!p0 $0x7  }
0x18d: {  	_ =	swait.ge @!p0 [sflag:s0], s1  }
0x18e: {  	s1 =	ssub.s32 @!p0 $0x0, s1;
	[sflag:s0] =	ssyncset.done @!p0 $0x0  }
0x18f: {  	[sflag:s0] =	ssyncadd.s32 @!p0 s1  }
0x190: {  	[bflag:$0x3] =	sbarrier.arrive $0xFFFF  }
0x191: {  	_ =	shalt  }

</sc_bundles>
